<compile_context>
chip_gen: v7x
topology: tpu7x:2x2x1
jax: 0.10.2.dev20260603
libtpu: 0.0.44.dev20260713+nightly
codegen_flags: <defaults>
</compile_context>

<pallas_src>
import functools

import jax
import jax.numpy as jnp
from jax import lax
from jax.experimental import pallas as pl
from jax.experimental.pallas import tpu as pltpu
from jax.experimental.pallas import tpu_sc as plsc

NUM_CENTERS = 512
N_TOKENS = 4 * 16 * 576

TC_ROWS = 9216

NUM_WORKERS = 32
PER_W = N_TOKENS // NUM_WORKERS
R = 128
NB = PER_W // R


def _argmin_body(x_ref, c_ref, o_ref):
    x = x_ref[...]
    c = c_ref[...]
    cm2 = -2.0 * c
    c2 = jnp.sum(c * c, axis=1, keepdims=True)
    d = lax.dot_general(
        cm2, x, (((1,), (1,)), ((), ())),
        preferred_element_type=jnp.float32) + c2
    dmin = jnp.min(d, axis=0, keepdims=True)
    iota = lax.broadcasted_iota(jnp.int32, d.shape, 0)
    o_ref[...] = jnp.min(jnp.where(d == dmin, iota, NUM_CENTERS), axis=0)


def _onehot_sc_body(idx_hbm, out_hbm, idx_v, buf_v, isem):
    wid = lax.axis_index("s") * 2 + lax.axis_index("c")
    base = wid * PER_W
    idx_cp = pltpu.async_copy(idx_hbm.at[pl.ds(base, PER_W)], idx_v, isem)
    lane = lax.iota(jnp.int32, 16)
    ones = jnp.full((16,), 1.0, jnp.float32)
    zeros = jnp.zeros((16,), jnp.float32)

    def _zero_row(r, carry):
        for j in range(NUM_CENTERS // 16):
            buf_v[r, pl.ds(j * 16, 16)] = zeros
        return carry

    lax.fori_loop(0, R, _zero_row, 0)
    idx_cp.wait()
    for b in range(NB):
        for j in range(R // 16):
            col = idx_v[pl.ds(b * R + j * 16, 16)]
            plsc.store_scatter(buf_v, [lane + j * 16, col], ones)
        pltpu.sync_copy(buf_v, out_hbm.at[pl.ds(base + b * R, R), :])
        for j in range(R // 16):
            col = idx_v[pl.ds(b * R + j * 16, 16)]
            plsc.store_scatter(buf_v, [lane + j * 16, col], zeros)


def kernel(y_true, mask, centers):
    B, T, n, d = y_true.shape
    N = B * T * n
    del mask
    x = y_true.reshape(N, d)
    idx = pl.pallas_call(
        _argmin_body,
        grid=(N // TC_ROWS,),
        in_specs=[
            pl.BlockSpec((TC_ROWS, d), lambda i: (i, 0)),
            pl.BlockSpec((NUM_CENTERS, d), lambda i: (0, 0)),
        ],
        out_specs=pl.BlockSpec((TC_ROWS,), lambda i: (i,)),
        out_shape=jax.ShapeDtypeStruct((N,), jnp.int32),
    )(x, centers)

    sc_call = functools.partial(
        pl.kernel,
        out_type=jax.ShapeDtypeStruct((N, NUM_CENTERS), jnp.float32),
        scratch_types=[
            pltpu.VMEM((PER_W,), jnp.int32),
            pltpu.VMEM((R, NUM_CENTERS), jnp.float32),
            pltpu.SemaphoreType.DMA,
        ],
        mesh=plsc.VectorSubcoreMesh(core_axis_name="c", subcore_axis_name="s"),
        compiler_params=pltpu.CompilerParams(needs_layout_passes=False),
    )(_onehot_sc_body)
    out = sc_call(idx)
    return out.reshape(B, T, n, NUM_CENTERS)

# --- scband reference (transcript-rebuilt; emitter-appended) ---
"""Pipeline reference for scband-batch-assign-oneh-70592082477730 (READ-ONLY COPY).

The authoritative reference and input builder live on the scoring server;
editing this copy changes nothing except your own understanding.
"""

import jax, jax.numpy as jnp
import numpy as np

NUM_CENTERS = 512
CODE_DIM = 32


def setup_inputs(seed: int = 0) -> dict:
    key = jax.random.key(seed)
    k1, k2 = jax.random.split(key)
    y_true = jax.random.normal(k1, (4, 16, 576, 32), dtype=jnp.float32)
    mask = jnp.zeros((4, 16, 576, 32), dtype=jnp.float32)
    centers = jax.random.normal(k2, (NUM_CENTERS, CODE_DIM), dtype=jnp.float32)
    return {"y_true": y_true, "mask": mask, "centers": centers}


def _assign_center(centers, xx):
    # nearest-center (L2 argmin) assignment per row: xx [n, d] -> [n] int
    x2 = jnp.sum(xx * xx, axis=-1, keepdims=True)
    c2 = jnp.sum(centers * centers, axis=-1)[None, :]
    dists = x2 - 2.0 * (xx @ centers.T) + c2
    return jnp.argmin(dists, axis=-1)


def reference(y_true, mask, centers):
    # Faithful translation of BatchAssignOneh.call:
    # 1) masktime: reduce mask rank 4 -> 2 by slicing channel/spatial dims
    # 2) per-batch boolean-mask y_true where (1 - mask) is True (BatchBool)
    # 3) reshape kept values to [valid_T, n, d]
    # 4) nested map: one_hot(assign_center(centers, xx), len(centers))
    B, T, n, d = y_true.shape
    Kc = centers.shape[0]
    valid_T = T
    outs = []
    for b in range(B):
        keep = 1.0 - mask[b]                    # [T, n, d]
        flat = y_true[b] * keep
        resh = flat.reshape(valid_T, n, d)
        idx = jax.vmap(lambda xx: _assign_center(centers, xx))(resh)  # [valid_T, n]
        outs.append(jax.nn.one_hot(idx, Kc, dtype=y_true.dtype))
    return jnp.stack(outs, axis=0)  # [B, valid_T, n, K]

if __name__ == "__main__":
    import jax
    _d = setup_inputs()
    print(jax.jit(kernel)(*tuple(_d.values())))

</pallas_src>

<mosaic_0001>
#map = affine_map<(d0, d1) -> (0)>
#map1 = affine_map<(d0, d1) -> (0, 0)>
module attributes {stable_mosaic.version = 14 : i64} {
  func.func @_onehot_sc_body(%arg0: i32, %arg1: i32, %arg2: memref<36864xi32, #tpu.memory_space<hbm>>, %arg3: memref<36864x512xf32, #tpu.memory_space<hbm>>, %arg4: memref<1152xi32, #tpu.memory_space<vmem>>, %arg5: memref<128x512xf32, #tpu.memory_space<vmem>>, %arg6: memref<!tpu.dma_semaphore, #tpu.memory_space<semaphore_mem>>) attributes {dimension_semantics = [#tpu.dimension_semantics<core_parallel>, #tpu.dimension_semantics<subcore_parallel>], iteration_bounds = array<i64: 2, 16>, scalar_prefetch = 0 : i64, scratch_operands = 3 : i64, tpu.core_type = #tpu.core_type<sc_vector_subcore>, window_params = [{transform_indices = #map}, {transform_indices = #map1}]} {
    %mul3A = arith.constant 2 : i32
    %mul3A_0 = arith.muli %arg1, %mul3A : i32
    %add3A = arith.addi %mul3A_0, %arg0 : i32
    %mul3A_1 = arith.constant 1152 : i32
    %mul3A_2 = arith.muli %add3A, %mul3A_1 : i32
    %dma_start3A = tpu.memref_slice %arg2[%mul3A_2] : memref<36864xi32, #tpu.memory_space<hbm>> -> memref<1152xi32, #tpu.memory_space<hbm>>
    %dma_start3A_3 = tpu.memref_slice %arg2[%mul3A_2] : memref<36864xi32, #tpu.memory_space<hbm>> -> memref<1152xi32, #tpu.memory_space<hbm>>
    tpu.enqueue_dma source(%dma_start3A_3 : memref<1152xi32, #tpu.memory_space<hbm>>) target(%arg4 : memref<1152xi32, #tpu.memory_space<vmem>>) target_semaphore(%arg6 : memref<!tpu.dma_semaphore, #tpu.memory_space<semaphore_mem>>)
    %iota3A = tpu.iota {dimensions = array<i32: 0>} : vector<16xi32>
    %broadcast_in_dim3A = arith.constant 1.000000e+00 : f32
    %broadcast_in_dim3A_4 = vector.broadcast %broadcast_in_dim3A : f32 to vector<16xf32>
    %broadcast_in_dim3A_5 = arith.constant 0.000000e+00 : f32
    %broadcast_in_dim3A_6 = vector.broadcast %broadcast_in_dim3A_5 : f32 to vector<16xf32>
    %scan3A = arith.constant 0 : i32
    %scan3A_7 = arith.constant 0 : i32
    %scan3A_8 = arith.constant 128 : i32
    %scan3A_9 = arith.addi %scan3A_7, %scan3A_8 : i32
    %scan3A_10 = arith.constant 1 : i32
    scf.for %scan3A_750 = %scan3A_7 to %scan3A_9 step %scan3A_10  : i32 {
      %swap3A = arith.index_cast %scan3A_750 : i32 to index
      %swap3A_751 = arith.constant 0 : index
      %swap3A_752 = tpu.vector_load %arg5[%swap3A, %swap3A_751] {strides = array<i32>} : memref<128x512xf32, #tpu.memory_space<vmem>>, vector<16xf32>,
      tpu.vector_store %arg5[%swap3A, %swap3A_751], %broadcast_in_dim3A_6 {strides = array<i32>} : memref<128x512xf32, #tpu.memory_space<vmem>>, vector<16xf32>,
      %swap3A_753 = arith.index_cast %scan3A_750 : i32 to index
      %swap3A_754 = arith.constant 16 : index
      %swap3A_755 = tpu.vector_load %arg5[%swap3A_753, %swap3A_754] {strides = array<i32>} : memref<128x512xf32, #tpu.memory_space<vmem>>, vector<16xf32>,
      tpu.vector_store %arg5[%swap3A_753, %swap3A_754], %broadcast_in_dim3A_6 {strides = array<i32>} : memref<128x512xf32, #tpu.memory_space<vmem>>, vector<16xf32>,
      %swap3A_756 = arith.index_cast %scan3A_750 : i32 to index
      %swap3A_757 = arith.constant 32 : index
      %swap3A_758 = tpu.vector_load %arg5[%swap3A_756, %swap3A_757] {strides = array<i32>} : memref<128x512xf32, #tpu.memory_space<vmem>>, vector<16xf32>,
      tpu.vector_store %arg5[%swap3A_756, %swap3A_757], %broadcast_in_dim3A_6 {strides = array<i32>} : memref<128x512xf32, #tpu.memory_space<vmem>>, vector<16xf32>,
      %swap3A_759 = arith.index_cast %scan3A_750 : i32 to index
      %swap3A_760 = arith.constant 48 : index
      %swap3A_761 = tpu.vector_load %arg5[%swap3A_759, %swap3A_760] {strides = array<i32>} : memref<128x512xf32, #tpu.memory_space<vmem>>, vector<16xf32>,
      tpu.vector_store %arg5[%swap3A_759, %swap3A_760], %broadcast_in_dim3A_6 {strides = array<i32>} : memref<128x512xf32, #tpu.memory_space<vmem>>, vector<16xf32>,
      %swap3A_762 = arith.index_cast %scan3A_750 : i32 to index
      %swap3A_763 = arith.constant 64 : index
      %swap3A_764 = tpu.vector_load %arg5[%swap3A_762, %swap3A_763] {strides = array<i32>} : memref<128x512xf32, #tpu.memory_space<vmem>>, vector<16xf32>,
      tpu.vector_store %arg5[%swap3A_762, %swap3A_763], %broadcast_in_dim3A_6 {strides = array<i32>} : memref<128x512xf32, #tpu.memory_space<vmem>>, vector<16xf32>,
      %swap3A_765 = arith.index_cast %scan3A_750 : i32 to index
      %swap3A_766 = arith.constant 80 : index
      %swap3A_767 = tpu.vector_load %arg5[%swap3A_765, %swap3A_766] {strides = array<i32>} : memref<128x512xf32, #tpu.memory_space<vmem>>, vector<16xf32>,
      tpu.vector_store %arg5[%swap3A_765, %swap3A_766], %broadcast_in_dim3A_6 {strides = array<i32>} : memref<128x512xf32, #tpu.memory_space<vmem>>, vector<16xf32>,
      %swap3A_768 = arith.index_cast %scan3A_750 : i32 to index
      %swap3A_769 = arith.constant 96 : index
      %swap3A_770 = tpu.vector_load %arg5[%swap3A_768, %swap3A_769] {strides = array<i32>} : memref<128x512xf32, #tpu.memory_space<vmem>>, vector<16xf32>,
      tpu.vector_store %arg5[%swap3A_768, %swap3A_769], %broadcast_in_dim3A_6 {strides = array<i32>} : memref<128x512xf32, #tpu.memory_space<vmem>>, vector<16xf32>,
      %swap3A_771 = arith.index_cast %scan3A_750 : i32 to index
      %swap3A_772 = arith.constant 112 : index
      %swap3A_773 = tpu.vector_load %arg5[%swap3A_771, %swap3A_772] {strides = array<i32>} : memref<128x512xf32, #tpu.memory_space<vmem>>, vector<16xf32>,
      tpu.vector_store %arg5[%swap3A_771, %swap3A_772], %broadcast_in_dim3A_6 {strides = array<i32>} : memref<128x512xf32, #tpu.memory_space<vmem>>, vector<16xf32>,
      %swap3A_774 = arith.index_cast %scan3A_750 : i32 to index
      %swap3A_775 = arith.constant 128 : index
      %swap3A_776 = tpu.vector_load %arg5[%swap3A_774, %swap3A_775] {strides = array<i32>} : memref<128x512xf32, #tpu.memory_space<vmem>>, vector<16xf32>,
      tpu.vector_store %arg5[%swap3A_774, %swap3A_775], %broadcast_in_dim3A_6 {strides = array<i32>} : memref<128x512xf32, #tpu.memory_space<vmem>>, vector<16xf32>,
      %swap3A_777 = arith.index_cast %scan3A_750 : i32 to index
      %swap3A_778 = arith.constant 144 : index
      %swap3A_779 = tpu.vector_load %arg5[%swap3A_777, %swap3A_778] {strides = array<i32>} : memref<128x512xf32, #tpu.memory_space<vmem>>, vector<16xf32>,
      tpu.vector_store %arg5[%swap3A_777, %swap3A_778], %broadcast_in_dim3A_6 {strides = array<i32>} : memref<128x512xf32, #tpu.memory_space<vmem>>, vector<16xf32>,
      %swap3A_780 = arith.index_cast %scan3A_750 : i32 to index
      %swap3A_781 = arith.constant 160 : index
      %swap3A_782 = tpu.vector_load %arg5[%swap3A_780, %swap3A_781] {strides = array<i32>} : memref<128x512xf32, #tpu.memory_space<vmem>>, vector<16xf32>,
      tpu.vector_store %arg5[%swap3A_780, %swap3A_781], %broadcast_in_dim3A_6 {strides = array<i32>} : memref<128x512xf32, #tpu.memory_space<vmem>>, vector<16xf32>,
      %swap3A_783 = arith.index_cast %scan3A_750 : i32 to index
      %swap3A_784 = arith.constant 176 : index
      %swap3A_785 = tpu.vector_load %arg5[%swap3A_783, %swap3A_784] {strides = array<i32>} : memref<128x512xf32, #tpu.memory_space<vmem>>, vector<16xf32>,
      tpu.vector_store %arg5[%swap3A_783, %swap3A_784], %broadcast_in_dim3A_6 {strides = array<i32>} : memref<128x512xf32, #tpu.memory_space<vmem>>, vector<16xf32>,
      %swap3A_786 = arith.index_cast %scan3A_750 : i32 to index
      %swap3A_787 = arith.constant 192 : index
      %swap3A_788 = tpu.vector_load %arg5[%swap3A_786, %swap3A_787] {strides = array<i32>} : memref<128x512xf32, #tpu.memory_space<vmem>>, vector<16xf32>,
      tpu.vector_store %arg5[%swap3A_786, %swap3A_787], %broadcast_in_dim3A_6 {strides = array<i32>} : memref<128x512xf32, #tpu.memory_space<vmem>>, vector<16xf32>,
      %swap3A_789 = arith.index_cast %scan3A_750 : i32 to index
      %swap3A_790 = arith.constant 208 : index
      %swap3A_791 = tpu.vector_load %arg5[%swap3A_789, %swap3A_790] {strides = array<i32>} : memref<128x512xf32, #tpu.memory_space<vmem>>, vector<16xf32>,
      tpu.vector_store %arg5[%swap3A_789, %swap3A_790], %broadcast_in_dim3A_6 {strides = array<i32>} : memref<128x512xf32, #tpu.memory_space<vmem>>, vector<16xf32>,
      %swap3A_792 = arith.index_cast %scan3A_750 : i32 to index
      %swap3A_793 = arith.constant 224 : index
      %swap3A_794 = tpu.vector_load %arg5[%swap3A_792, %swap3A_793] {strides = array<i32>} : memref<128x512xf32, #tpu.memory_space<vmem>>, vector<16xf32>,
      tpu.vector_store %arg5[%swap3A_792, %swap3A_793], %broadcast_in_dim3A_6 {strides = array<i32>} : memref<128x512xf32, #tpu.memory_space<vmem>>, vector<16xf32>,
      %swap3A_795 = arith.index_cast %scan3A_750 : i32 to index
      %swap3A_796 = arith.constant 240 : index
      %swap3A_797 = tpu.vector_load %arg5[%swap3A_795, %swap3A_796] {strides = array<i32>} : memref<128x512xf32, #tpu.memory_space<vmem>>, vector<16xf32>,
      tpu.vector_store %arg5[%swap3A_795, %swap3A_796], %broadcast_in_dim3A_6 {strides = array<i32>} : memref<128x512xf32, #tpu.memory_space<vmem>>, vector<16xf32>,
      %swap3A_798 = arith.index_cast %scan3A_750 : i32 to index
      %swap3A_799 = arith.constant 256 : index
      %swap3A_800 = tpu.vector_load %arg5[%swap3A_798, %swap3A_799] {strides = array<i32>} : memref<128x512xf32, #tpu.memory_space<vmem>>, vector<16xf32>,
      tpu.vector_store %arg5[%swap3A_798, %swap3A_799], %broadcast_in_dim3A_6 {strides = array<i32>} : memref<128x512xf32, #tpu.memory_space<vmem>>, vector<16xf32>,
      %swap3A_801 = arith.index_cast %scan3A_750 : i32 to index
      %swap3A_802 = arith.constant 272 : index
      %swap3A_803 = tpu.vector_load %arg5[%swap3A_801, %swap3A_802] {strides = array<i32>} : memref<128x512xf32, #tpu.memory_space<vmem>>, vector<16xf32>,
      tpu.vector_store %arg5[%swap3A_801, %swap3A_802], %broadcast_in_dim3A_6 {strides = array<i32>} : memref<128x512xf32, #tpu.memory_space<vmem>>, vector<16xf32>,
      %swap3A_804 = arith.index_cast %scan3A_750 : i32 to index
      %swap3A_805 = arith.constant 288 : index
      %swap3A_806 = tpu.vector_load %arg5[%swap3A_804, %swap3A_805] {strides = array<i32>} : memref<128x512xf32, #tpu.memory_space<vmem>>, vector<16xf32>,
      tpu.vector_store %arg5[%swap3A_804, %swap3A_805], %broadcast_in_dim3A_6 {strides = array<i32>} : memref<128x512xf32, #tpu.memory_space<vmem>>, vector<16xf32>,
      %swap3A_807 = arith.index_cast %scan3A_750 : i32 to index
      %swap3A_808 = arith.constant 304 : index
      %swap3A_809 = tpu.vector_load %arg5[%swap3A_807, %swap3A_808] {strides = array<i32>} : memref<128x512xf32, #tpu.memory_space<vmem>>, vector<16xf32>,
      tpu.vector_store %arg5[%swap3A_807, %swap3A_808], %broadcast_in_dim3A_6 {strides = array<i32>} : memref<128x512xf32, #tpu.memory_space<vmem>>, vector<16xf32>,
      %swap3A_810 = arith.index_cast %scan3A_750 : i32 to index
      %swap3A_811 = arith.constant 320 : index
      %swap3A_812 = tpu.vector_load %arg5[%swap3A_810, %swap3A_811] {strides = array<i32>} : memref<128x512xf32, #tpu.memory_space<vmem>>, vector<16xf32>,
      tpu.vector_store %arg5[%swap3A_810, %swap3A_811], %broadcast_in_dim3A_6 {strides = array<i32>} : memref<128x512xf32, #tpu.memory_space<vmem>>, vector<16xf32>,
      %swap3A_813 = arith.index_cast %scan3A_750 : i32 to index
      %swap3A_814 = arith.constant 336 : index
      %swap3A_815 = tpu.vector_load %arg5[%swap3A_813, %swap3A_814] {strides = array<i32>} : memref<128x512xf32, #tpu.memory_space<vmem>>, vector<16xf32>,
      tpu.vector_store %arg5[%swap3A_813, %swap3A_814], %broadcast_in_dim3A_6 {strides = array<i32>} : memref<128x512xf32, #tpu.memory_space<vmem>>, vector<16xf32>,
      %swap3A_816 = arith.index_cast %scan3A_750 : i32 to index
      %swap3A_817 = arith.constant 352 : index
      %swap3A_818 = tpu.vector_load %arg5[%swap3A_816, %swap3A_817] {strides = array<i32>} : memref<128x512xf32, #tpu.memory_space<vmem>>, vector<16xf32>,
      tpu.vector_store %arg5[%swap3A_816, %swap3A_817], %broadcast_in_dim3A_6 {strides = array<i32>} : memref<128x512xf32, #tpu.memory_space<vmem>>, vector<16xf32>,
      %swap3A_819 = arith.index_cast %scan3A_750 : i32 to index
      %swap3A_820 = arith.constant 368 : index
      %swap3A_821 = tpu.vector_load %arg5[%swap3A_819, %swap3A_820] {strides = array<i32>} : memref<128x512xf32, #tpu.memory_space<vmem>>, vector<16xf32>,
      tpu.vector_store %arg5[%swap3A_819, %swap3A_820], %broadcast_in_dim3A_6 {strides = array<i32>} : memref<128x512xf32, #tpu.memory_space<vmem>>, vector<16xf32>,
      %swap3A_822 = arith.index_cast %scan3A_750 : i32 to index
      %swap3A_823 = arith.constant 384 : index
      %swap3A_824 = tpu.vector_load %arg5[%swap3A_822, %swap3A_823] {strides = array<i32>} : memref<128x512xf32, #tpu.memory_space<vmem>>, vector<16xf32>,
      tpu.vector_store %arg5[%swap3A_822, %swap3A_823], %broadcast_in_dim3A_6 {strides = array<i32>} : memref<128x512xf32, #tpu.memory_space<vmem>>, vector<16xf32>,
      %swap3A_825 = arith.index_cast %scan3A_750 : i32 to index
      %swap3A_826 = arith.constant 400 : index
      %swap3A_827 = tpu.vector_load %arg5[%swap3A_825, %swap3A_826] {strides = array<i32>} : memref<128x512xf32, #tpu.memory_space<vmem>>, vector<16xf32>,
      tpu.vector_store %arg5[%swap3A_825, %swap3A_826], %broadcast_in_dim3A_6 {strides = array<i32>} : memref<128x512xf32, #tpu.memory_space<vmem>>, vector<16xf32>,
      %swap3A_828 = arith.index_cast %scan3A_750 : i32 to index
      %swap3A_829 = arith.constant 416 : index
      %swap3A_830 = tpu.vector_load %arg5[%swap3A_828, %swap3A_829] {strides = array<i32>} : memref<128x512xf32, #tpu.memory_space<vmem>>, vector<16xf32>,
      tpu.vector_store %arg5[%swap3A_828, %swap3A_829], %broadcast_in_dim3A_6 {strides = array<i32>} : memref<128x512xf32, #tpu.memory_space<vmem>>, vector<16xf32>,
      %swap3A_831 = arith.index_cast %scan3A_750 : i32 to index
      %swap3A_832 = arith.constant 432 : index
      %swap3A_833 = tpu.vector_load %arg5[%swap3A_831, %swap3A_832] {strides = array<i32>} : memref<128x512xf32, #tpu.memory_space<vmem>>, vector<16xf32>,
      tpu.vector_store %arg5[%swap3A_831, %swap3A_832], %broadcast_in_dim3A_6 {strides = array<i32>} : memref<128x512xf32, #tpu.memory_space<vmem>>, vector<16xf32>,
      %swap3A_834 = arith.index_cast %scan3A_750 : i32 to index
      %swap3A_835 = arith.constant 448 : index
      %swap3A_836 = tpu.vector_load %arg5[%swap3A_834, %swap3A_835] {strides = array<i32>} : memref<128x512xf32, #tpu.memory_space<vmem>>, vector<16xf32>,
      tpu.vector_store %arg5[%swap3A_834, %swap3A_835], %broadcast_in_dim3A_6 {strides = array<i32>} : memref<128x512xf32, #tpu.memory_space<vmem>>, vector<16xf32>,
      %swap3A_837 = arith.index_cast %scan3A_750 : i32 to index
      %swap3A_838 = arith.constant 464 : index
      %swap3A_839 = tpu.vector_load %arg5[%swap3A_837, %swap3A_838] {strides = array<i32>} : memref<128x512xf32, #tpu.memory_space<vmem>>, vector<16xf32>,
      tpu.vector_store %arg5[%swap3A_837, %swap3A_838], %broadcast_in_dim3A_6 {strides = array<i32>} : memref<128x512xf32, #tpu.memory_space<vmem>>, vector<16xf32>,
      %swap3A_840 = arith.index_cast %scan3A_750 : i32 to index
      %swap3A_841 = arith.constant 480 : index
      %swap3A_842 = tpu.vector_load %arg5[%swap3A_840, %swap3A_841] {strides = array<i32>} : memref<128x512xf32, #tpu.memory_space<vmem>>, vector<16xf32>,
      tpu.vector_store %arg5[%swap3A_840, %swap3A_841], %broadcast_in_dim3A_6 {strides = array<i32>} : memref<128x512xf32, #tpu.memory_space<vmem>>, vector<16xf32>,
      %swap3A_843 = arith.index_cast %scan3A_750 : i32 to index
      %swap3A_844 = arith.constant 496 : index
      %swap3A_845 = tpu.vector_load %arg5[%swap3A_843, %swap3A_844] {strides = array<i32>} : memref<128x512xf32, #tpu.memory_space<vmem>>, vector<16xf32>,
      tpu.vector_store %arg5[%swap3A_843, %swap3A_844], %broadcast_in_dim3A_6 {strides = array<i32>} : memref<128x512xf32, #tpu.memory_space<vmem>>, vector<16xf32>,
    }
    %scan3A_11 = arith.constant 128 : i32
    %dma_wait3A = tpu.memref_slice %arg2[%mul3A_2] : memref<36864xi32, #tpu.memory_space<hbm>> -> memref<1152xi32, #tpu.memory_space<hbm>>
    %dma_wait3A_12 = tpu.memref_slice %arg2[%mul3A_2] : memref<36864xi32, #tpu.memory_space<hbm>> -> memref<1152xi32, #tpu.memory_space<hbm>>
    tpu.wait_dma2 semaphore(%arg6 : memref<!tpu.dma_semaphore, #tpu.memory_space<semaphore_mem>>) src(%dma_wait3A_12 : memref<1152xi32, #tpu.memory_space<hbm>>) dst(%arg4 : memref<1152xi32, #tpu.memory_space<vmem>>)
    %get3A = arith.constant 0 : index
    %get3A_13 = tpu.vector_load %arg4[%get3A] {strides = array<i32>} : memref<1152xi32, #tpu.memory_space<vmem>>, vector<16xi32>,
    %add3A_14 = arith.constant 0 : i32
    %add3A_15 = vector.broadcast %add3A_14 : i32 to vector<16xi32>
    %add3A_16 = arith.addi %iota3A, %add3A_15 : vector<16xi32>
    tpu.vector_store_idx %arg5[%add3A_16, %get3A_13], %broadcast_in_dim3A_4 : memref<128x512xf32, #tpu.memory_space<vmem>>[vector<16xi32>, vector<16xi32>], vector<16xf32>,
    %get3A_17 = arith.constant 16 : index
    %get3A_18 = tpu.vector_load %arg4[%get3A_17] {strides = array<i32>} : memref<1152xi32, #tpu.memory_space<vmem>>, vector<16xi32>,
    %add3A_19 = arith.constant 16 : i32
    %add3A_20 = vector.broadcast %add3A_19 : i32 to vector<16xi32>
    %add3A_21 = arith.addi %iota3A, %add3A_20 : vector<16xi32>
    tpu.vector_store_idx %arg5[%add3A_21, %get3A_18], %broadcast_in_dim3A_4 : memref<128x512xf32, #tpu.memory_space<vmem>>[vector<16xi32>, vector<16xi32>], vector<16xf32>,
    %get3A_22 = arith.constant 32 : index
    %get3A_23 = tpu.vector_load %arg4[%get3A_22] {strides = array<i32>} : memref<1152xi32, #tpu.memory_space<vmem>>, vector<16xi32>,
    %add3A_24 = arith.constant 32 : i32
    %add3A_25 = vector.broadcast %add3A_24 : i32 to vector<16xi32>
    %add3A_26 = arith.addi %iota3A, %add3A_25 : vector<16xi32>
    tpu.vector_store_idx %arg5[%add3A_26, %get3A_23], %broadcast_in_dim3A_4 : memref<128x512xf32, #tpu.memory_space<vmem>>[vector<16xi32>, vector<16xi32>], vector<16xf32>,
    %get3A_27 = arith.constant 48 : index
    %get3A_28 = tpu.vector_load %arg4[%get3A_27] {strides = array<i32>} : memref<1152xi32, #tpu.memory_space<vmem>>, vector<16xi32>,
    %add3A_29 = arith.constant 48 : i32
    %add3A_30 = vector.broadcast %add3A_29 : i32 to vector<16xi32>
    %add3A_31 = arith.addi %iota3A, %add3A_30 : vector<16xi32>
    tpu.vector_store_idx %arg5[%add3A_31, %get3A_28], %broadcast_in_dim3A_4 : memref<128x512xf32, #tpu.memory_space<vmem>>[vector<16xi32>, vector<16xi32>], vector<16xf32>,
    %get3A_32 = arith.constant 64 : index
    %get3A_33 = tpu.vector_load %arg4[%get3A_32] {strides = array<i32>} : memref<1152xi32, #tpu.memory_space<vmem>>, vector<16xi32>,
    %add3A_34 = arith.constant 64 : i32
    %add3A_35 = vector.broadcast %add3A_34 : i32 to vector<16xi32>
    %add3A_36 = arith.addi %iota3A, %add3A_35 : vector<16xi32>
    tpu.vector_store_idx %arg5[%add3A_36, %get3A_33], %broadcast_in_dim3A_4 : memref<128x512xf32, #tpu.memory_space<vmem>>[vector<16xi32>, vector<16xi32>], vector<16xf32>,
    %get3A_37 = arith.constant 80 : index
    %get3A_38 = tpu.vector_load %arg4[%get3A_37] {strides = array<i32>} : memref<1152xi32, #tpu.memory_space<vmem>>, vector<16xi32>,
    %add3A_39 = arith.constant 80 : i32
    %add3A_40 = vector.broadcast %add3A_39 : i32 to vector<16xi32>
    %add3A_41 = arith.addi %iota3A, %add3A_40 : vector<16xi32>
    tpu.vector_store_idx %arg5[%add3A_41, %get3A_38], %broadcast_in_dim3A_4 : memref<128x512xf32, #tpu.memory_space<vmem>>[vector<16xi32>, vector<16xi32>], vector<16xf32>,
    %get3A_42 = arith.constant 96 : index
    %get3A_43 = tpu.vector_load %arg4[%get3A_42] {strides = array<i32>} : memref<1152xi32, #tpu.memory_space<vmem>>, vector<16xi32>,
    %add3A_44 = arith.constant 96 : i32
    %add3A_45 = vector.broadcast %add3A_44 : i32 to vector<16xi32>
    %add3A_46 = arith.addi %iota3A, %add3A_45 : vector<16xi32>
    tpu.vector_store_idx %arg5[%add3A_46, %get3A_43], %broadcast_in_dim3A_4 : memref<128x512xf32, #tpu.memory_space<vmem>>[vector<16xi32>, vector<16xi32>], vector<16xf32>,
    %get3A_47 = arith.constant 112 : index
    %get3A_48 = tpu.vector_load %arg4[%get3A_47] {strides = array<i32>} : memref<1152xi32, #tpu.memory_space<vmem>>, vector<16xi32>,
    %add3A_49 = arith.constant 112 : i32
    %add3A_50 = vector.broadcast %add3A_49 : i32 to vector<16xi32>
    %add3A_51 = arith.addi %iota3A, %add3A_50 : vector<16xi32>
    tpu.vector_store_idx %arg5[%add3A_51, %get3A_48], %broadcast_in_dim3A_4 : memref<128x512xf32, #tpu.memory_space<vmem>>[vector<16xi32>, vector<16xi32>], vector<16xf32>,
    %add3A_52 = arith.constant 0 : i32
    %add3A_53 = arith.addi %mul3A_2, %add3A_52 : i32
    "tpu.region"() ({
      %run_scoped3A = tpu.sem_alloc : memref<!tpu.dma_semaphore, #tpu.memory_space<semaphore_mem>>
      %dma_start3A_750 = arith.constant 0 : i32
      %dma_start3A_751 = tpu.memref_slice %arg3[%add3A_53, %dma_start3A_750] : memref<36864x512xf32, #tpu.memory_space<hbm>> -> memref<128x512xf32, #tpu.memory_space<hbm>>
      %dma_start3A_752 = arith.constant 0 : i32
      %dma_start3A_753 = tpu.memref_slice %arg3[%add3A_53, %dma_start3A_752] : memref<36864x512xf32, #tpu.memory_space<hbm>> -> memref<128x512xf32, #tpu.memory_space<hbm>>
      tpu.enqueue_dma source(%arg5 : memref<128x512xf32, #tpu.memory_space<vmem>>) target(%dma_start3A_753 : memref<128x512xf32, #tpu.memory_space<hbm>>) target_semaphore(%run_scoped3A : memref<!tpu.dma_semaphore, #tpu.memory_space<semaphore_mem>>)
      %dma_wait3A_754 = arith.constant 0 : i32
      %dma_wait3A_755 = tpu.memref_slice %arg3[%add3A_53, %dma_wait3A_754] : memref<36864x512xf32, #tpu.memory_space<hbm>> -> memref<128x512xf32, #tpu.memory_space<hbm>>
      %dma_wait3A_756 = arith.constant 0 : i32
      %dma_wait3A_757 = tpu.memref_slice %arg3[%add3A_53, %dma_wait3A_756] : memref<36864x512xf32, #tpu.memory_space<hbm>> -> memref<128x512xf32, #tpu.memory_space<hbm>>
      tpu.wait_dma2 semaphore(%run_scoped3A : memref<!tpu.dma_semaphore, #tpu.memory_space<semaphore_mem>>) src(%arg5 : memref<128x512xf32, #tpu.memory_space<vmem>>) dst(%dma_wait3A_757 : memref<128x512xf32, #tpu.memory_space<hbm>>)
      tpu.yield
    }) : () -> ()
    %get3A_54 = arith.constant 0 : index
    %get3A_55 = tpu.vector_load %arg4[%get3A_54] {strides = array<i32>} : memref<1152xi32, #tpu.memory_space<vmem>>, vector<16xi32>,
    %add3A_56 = arith.constant 0 : i32
    %add3A_57 = vector.broadcast %add3A_56 : i32 to vector<16xi32>
    %add3A_58 = arith.addi %iota3A, %add3A_57 : vector<16xi32>
    tpu.vector_store_idx %arg5[%add3A_58, %get3A_55], %broadcast_in_dim3A_6 : memref<128x512xf32, #tpu.memory_space<vmem>>[vector<16xi32>, vector<16xi32>], vector<16xf32>,
    %get3A_59 = arith.constant 16 : index
    %get3A_60 = tpu.vector_load %arg4[%get3A_59] {strides = array<i32>} : memref<1152xi32, #tpu.memory_space<vmem>>, vector<16xi32>,
    %add3A_61 = arith.constant 16 : i32
    %add3A_62 = vector.broadcast %add3A_61 : i32 to vector<16xi32>
    %add3A_63 = arith.addi %iota3A, %add3A_62 : vector<16xi32>
    tpu.vector_store_idx %arg5[%add3A_63, %get3A_60], %broadcast_in_dim3A_6 : memref<128x512xf32, #tpu.memory_space<vmem>>[vector<16xi32>, vector<16xi32>], vector<16xf32>,
    %get3A_64 = arith.constant 32 : index
    %get3A_65 = tpu.vector_load %arg4[%get3A_64] {strides = array<i32>} : memref<1152xi32, #tpu.memory_space<vmem>>, vector<16xi32>,
    %add3A_66 = arith.constant 32 : i32
    %add3A_67 = vector.broadcast %add3A_66 : i32 to vector<16xi32>
    %add3A_68 = arith.addi %iota3A, %add3A_67 : vector<16xi32>
    tpu.vector_store_idx %arg5[%add3A_68, %get3A_65], %broadcast_in_dim3A_6 : memref<128x512xf32, #tpu.memory_space<vmem>>[vector<16xi32>, vector<16xi32>], vector<16xf32>,
    %get3A_69 = arith.constant 48 : index
    %get3A_70 = tpu.vector_load %arg4[%get3A_69] {strides = array<i32>} : memref<1152xi32, #tpu.memory_space<vmem>>, vector<16xi32>,
    %add3A_71 = arith.constant 48 : i32
    %add3A_72 = vector.broadcast %add3A_71 : i32 to vector<16xi32>
    %add3A_73 = arith.addi %iota3A, %add3A_72 : vector<16xi32>
    tpu.vector_store_idx %arg5[%add3A_73, %get3A_70], %broadcast_in_dim3A_6 : memref<128x512xf32, #tpu.memory_space<vmem>>[vector<16xi32>, vector<16xi32>], vector<16xf32>,
    %get3A_74 = arith.constant 64 : index
    %get3A_75 = tpu.vector_load %arg4[%get3A_74] {strides = array<i32>} : memref<1152xi32, #tpu.memory_space<vmem>>, vector<16xi32>,
    %add3A_76 = arith.constant 64 : i32
    %add3A_77 = vector.broadcast %add3A_76 : i32 to vector<16xi32>
    %add3A_78 = arith.addi %iota3A, %add3A_77 : vector<16xi32>
    tpu.vector_store_idx %arg5[%add3A_78, %get3A_75], %broadcast_in_dim3A_6 : memref<128x512xf32, #tpu.memory_space<vmem>>[vector<16xi32>, vector<16xi32>], vector<16xf32>,
    %get3A_79 = arith.constant 80 : index
    %get3A_80 = tpu.vector_load %arg4[%get3A_79] {strides = array<i32>} : memref<1152xi32, #tpu.memory_space<vmem>>, vector<16xi32>,
    %add3A_81 = arith.constant 80 : i32
    %add3A_82 = vector.broadcast %add3A_81 : i32 to vector<16xi32>
    %add3A_83 = arith.addi %iota3A, %add3A_82 : vector<16xi32>
    tpu.vector_store_idx %arg5[%add3A_83, %get3A_80], %broadcast_in_dim3A_6 : memref<128x512xf32, #tpu.memory_space<vmem>>[vector<16xi32>, vector<16xi32>], vector<16xf32>,
    %get3A_84 = arith.constant 96 : index
    %get3A_85 = tpu.vector_load %arg4[%get3A_84] {strides = array<i32>} : memref<1152xi32, #tpu.memory_space<vmem>>, vector<16xi32>,
    %add3A_86 = arith.constant 96 : i32
    %add3A_87 = vector.broadcast %add3A_86 : i32 to vector<16xi32>
    %add3A_88 = arith.addi %iota3A, %add3A_87 : vector<16xi32>
    tpu.vector_store_idx %arg5[%add3A_88, %get3A_85], %broadcast_in_dim3A_6 : memref<128x512xf32, #tpu.memory_space<vmem>>[vector<16xi32>, vector<16xi32>], vector<16xf32>,
    %get3A_89 = arith.constant 112 : index
    %get3A_90 = tpu.vector_load %arg4[%get3A_89] {strides = array<i32>} : memref<1152xi32, #tpu.memory_space<vmem>>, vector<16xi32>,
    %add3A_91 = arith.constant 112 : i32
    %add3A_92 = vector.broadcast %add3A_91 : i32 to vector<16xi32>
    %add3A_93 = arith.addi %iota3A, %add3A_92 : vector<16xi32>
    tpu.vector_store_idx %arg5[%add3A_93, %get3A_90], %broadcast_in_dim3A_6 : memref<128x512xf32, #tpu.memory_space<vmem>>[vector<16xi32>, vector<16xi32>], vector<16xf32>,
    %get3A_94 = arith.constant 128 : index
    %get3A_95 = tpu.vector_load %arg4[%get3A_94] {strides = array<i32>} : memref<1152xi32, #tpu.memory_space<vmem>>, vector<16xi32>,
    %add3A_96 = arith.constant 0 : i32
    %add3A_97 = vector.broadcast %add3A_96 : i32 to vector<16xi32>
    %add3A_98 = arith.addi %iota3A, %add3A_97 : vector<16xi32>
    tpu.vector_store_idx %arg5[%add3A_98, %get3A_95], %broadcast_in_dim3A_4 : memref<128x512xf32, #tpu.memory_space<vmem>>[vector<16xi32>, vector<16xi32>], vector<16xf32>,
    %get3A_99 = arith.constant 144 : index
    %get3A_100 = tpu.vector_load %arg4[%get3A_99] {strides = array<i32>} : memref<1152xi32, #tpu.memory_space<vmem>>, vector<16xi32>,
    %add3A_101 = arith.constant 16 : i32
    %add3A_102 = vector.broadcast %add3A_101 : i32 to vector<16xi32>
    %add3A_103 = arith.addi %iota3A, %add3A_102 : vector<16xi32>
    tpu.vector_store_idx %arg5[%add3A_103, %get3A_100], %broadcast_in_dim3A_4 : memref<128x512xf32, #tpu.memory_space<vmem>>[vector<16xi32>, vector<16xi32>], vector<16xf32>,
    %get3A_104 = arith.constant 160 : index
    %get3A_105 = tpu.vector_load %arg4[%get3A_104] {strides = array<i32>} : memref<1152xi32, #tpu.memory_space<vmem>>, vector<16xi32>,
    %add3A_106 = arith.constant 32 : i32
    %add3A_107 = vector.broadcast %add3A_106 : i32 to vector<16xi32>
    %add3A_108 = arith.addi %iota3A, %add3A_107 : vector<16xi32>
    tpu.vector_store_idx %arg5[%add3A_108, %get3A_105], %broadcast_in_dim3A_4 : memref<128x512xf32, #tpu.memory_space<vmem>>[vector<16xi32>, vector<16xi32>], vector<16xf32>,
    %get3A_109 = arith.constant 176 : index
    %get3A_110 = tpu.vector_load %arg4[%get3A_109] {strides = array<i32>} : memref<1152xi32, #tpu.memory_space<vmem>>, vector<16xi32>,
    %add3A_111 = arith.constant 48 : i32
    %add3A_112 = vector.broadcast %add3A_111 : i32 to vector<16xi32>
    %add3A_113 = arith.addi %iota3A, %add3A_112 : vector<16xi32>
    tpu.vector_store_idx %arg5[%add3A_113, %get3A_110], %broadcast_in_dim3A_4 : memref<128x512xf32, #tpu.memory_space<vmem>>[vector<16xi32>, vector<16xi32>], vector<16xf32>,
    %get3A_114 = arith.constant 192 : index
    %get3A_115 = tpu.vector_load %arg4[%get3A_114] {strides = array<i32>} : memref<1152xi32, #tpu.memory_space<vmem>>, vector<16xi32>,
    %add3A_116 = arith.constant 64 : i32
    %add3A_117 = vector.broadcast %add3A_116 : i32 to vector<16xi32>
    %add3A_118 = arith.addi %iota3A, %add3A_117 : vector<16xi32>
    tpu.vector_store_idx %arg5[%add3A_118, %get3A_115], %broadcast_in_dim3A_4 : memref<128x512xf32, #tpu.memory_space<vmem>>[vector<16xi32>, vector<16xi32>], vector<16xf32>,
    %get3A_119 = arith.constant 208 : index
    %get3A_120 = tpu.vector_load %arg4[%get3A_119] {strides = array<i32>} : memref<1152xi32, #tpu.memory_space<vmem>>, vector<16xi32>,
    %add3A_121 = arith.constant 80 : i32
    %add3A_122 = vector.broadcast %add3A_121 : i32 to vector<16xi32>
    %add3A_123 = arith.addi %iota3A, %add3A_122 : vector<16xi32>
    tpu.vector_store_idx %arg5[%add3A_123, %get3A_120], %broadcast_in_dim3A_4 : memref<128x512xf32, #tpu.memory_space<vmem>>[vector<16xi32>, vector<16xi32>], vector<16xf32>,
    %get3A_124 = arith.constant 224 : index
    %get3A_125 = tpu.vector_load %arg4[%get3A_124] {strides = array<i32>} : memref<1152xi32, #tpu.memory_space<vmem>>, vector<16xi32>,
    %add3A_126 = arith.constant 96 : i32
    %add3A_127 = vector.broadcast %add3A_126 : i32 to vector<16xi32>
    %add3A_128 = arith.addi %iota3A, %add3A_127 : vector<16xi32>
    tpu.vector_store_idx %arg5[%add3A_128, %get3A_125], %broadcast_in_dim3A_4 : memref<128x512xf32, #tpu.memory_space<vmem>>[vector<16xi32>, vector<16xi32>], vector<16xf32>,
    %get3A_129 = arith.constant 240 : index
    %get3A_130 = tpu.vector_load %arg4[%get3A_129] {strides = array<i32>} : memref<1152xi32, #tpu.memory_space<vmem>>, vector<16xi32>,
    %add3A_131 = arith.constant 112 : i32
    %add3A_132 = vector.broadcast %add3A_131 : i32 to vector<16xi32>
    %add3A_133 = arith.addi %iota3A, %add3A_132 : vector<16xi32>
    tpu.vector_store_idx %arg5[%add3A_133, %get3A_130], %broadcast_in_dim3A_4 : memref<128x512xf32, #tpu.memory_space<vmem>>[vector<16xi32>, vector<16xi32>], vector<16xf32>,
    %add3A_134 = arith.constant 128 : i32
    %add3A_135 = arith.addi %mul3A_2, %add3A_134 : i32
    "tpu.region"() ({
      %run_scoped3A = tpu.sem_alloc : memref<!tpu.dma_semaphore, #tpu.memory_space<semaphore_mem>>
      %dma_start3A_750 = arith.constant 0 : i32
      %dma_start3A_751 = tpu.memref_slice %arg3[%add3A_135, %dma_start3A_750] : memref<36864x512xf32, #tpu.memory_space<hbm>> -> memref<128x512xf32, #tpu.memory_space<hbm>>
      %dma_start3A_752 = arith.constant 0 : i32
      %dma_start3A_753 = tpu.memref_slice %arg3[%add3A_135, %dma_start3A_752] : memref<36864x512xf32, #tpu.memory_space<hbm>> -> memref<128x512xf32, #tpu.memory_space<hbm>>
      tpu.enqueue_dma source(%arg5 : memref<128x512xf32, #tpu.memory_space<vmem>>) target(%dma_start3A_753 : memref<128x512xf32, #tpu.memory_space<hbm>>) target_semaphore(%run_scoped3A : memref<!tpu.dma_semaphore, #tpu.memory_space<semaphore_mem>>)
      %dma_wait3A_754 = arith.constant 0 : i32
      %dma_wait3A_755 = tpu.memref_slice %arg3[%add3A_135, %dma_wait3A_754] : memref<36864x512xf32, #tpu.memory_space<hbm>> -> memref<128x512xf32, #tpu.memory_space<hbm>>
      %dma_wait3A_756 = arith.constant 0 : i32
      %dma_wait3A_757 = tpu.memref_slice %arg3[%add3A_135, %dma_wait3A_756] : memref<36864x512xf32, #tpu.memory_space<hbm>> -> memref<128x512xf32, #tpu.memory_space<hbm>>
      tpu.wait_dma2 semaphore(%run_scoped3A : memref<!tpu.dma_semaphore, #tpu.memory_space<semaphore_mem>>) src(%arg5 : memref<128x512xf32, #tpu.memory_space<vmem>>) dst(%dma_wait3A_757 : memref<128x512xf32, #tpu.memory_space<hbm>>)
      tpu.yield
    }) : () -> ()
    %get3A_136 = arith.constant 128 : index
    %get3A_137 = tpu.vector_load %arg4[%get3A_136] {strides = array<i32>} : memref<1152xi32, #tpu.memory_space<vmem>>, vector<16xi32>,
    %add3A_138 = arith.constant 0 : i32
    %add3A_139 = vector.broadcast %add3A_138 : i32 to vector<16xi32>
    %add3A_140 = arith.addi %iota3A, %add3A_139 : vector<16xi32>
    tpu.vector_store_idx %arg5[%add3A_140, %get3A_137], %broadcast_in_dim3A_6 : memref<128x512xf32, #tpu.memory_space<vmem>>[vector<16xi32>, vector<16xi32>], vector<16xf32>,
    %get3A_141 = arith.constant 144 : index
    %get3A_142 = tpu.vector_load %arg4[%get3A_141] {strides = array<i32>} : memref<1152xi32, #tpu.memory_space<vmem>>, vector<16xi32>,
    %add3A_143 = arith.constant 16 : i32
    %add3A_144 = vector.broadcast %add3A_143 : i32 to vector<16xi32>
    %add3A_145 = arith.addi %iota3A, %add3A_144 : vector<16xi32>
    tpu.vector_store_idx %arg5[%add3A_145, %get3A_142], %broadcast_in_dim3A_6 : memref<128x512xf32, #tpu.memory_space<vmem>>[vector<16xi32>, vector<16xi32>], vector<16xf32>,
    %get3A_146 = arith.constant 160 : index
    %get3A_147 = tpu.vector_load %arg4[%get3A_146] {strides = array<i32>} : memref<1152xi32, #tpu.memory_space<vmem>>, vector<16xi32>,
    %add3A_148 = arith.constant 32 : i32
    %add3A_149 = vector.broadcast %add3A_148 : i32 to vector<16xi32>
    %add3A_150 = arith.addi %iota3A, %add3A_149 : vector<16xi32>
    tpu.vector_store_idx %arg5[%add3A_150, %get3A_147], %broadcast_in_dim3A_6 : memref<128x512xf32, #tpu.memory_space<vmem>>[vector<16xi32>, vector<16xi32>], vector<16xf32>,
    %get3A_151 = arith.constant 176 : index
    %get3A_152 = tpu.vector_load %arg4[%get3A_151] {strides = array<i32>} : memref<1152xi32, #tpu.memory_space<vmem>>, vector<16xi32>,
    %add3A_153 = arith.constant 48 : i32
    %add3A_154 = vector.broadcast %add3A_153 : i32 to vector<16xi32>
    %add3A_155 = arith.addi %iota3A, %add3A_154 : vector<16xi32>
    tpu.vector_store_idx %arg5[%add3A_155, %get3A_152], %broadcast_in_dim3A_6 : memref<128x512xf32, #tpu.memory_space<vmem>>[vector<16xi32>, vector<16xi32>], vector<16xf32>,
    %get3A_156 = arith.constant 192 : index
    %get3A_157 = tpu.vector_load %arg4[%get3A_156] {strides = array<i32>} : memref<1152xi32, #tpu.memory_space<vmem>>, vector<16xi32>,
    %add3A_158 = arith.constant 64 : i32
    %add3A_159 = vector.broadcast %add3A_158 : i32 to vector<16xi32>
    %add3A_160 = arith.addi %iota3A, %add3A_159 : vector<16xi32>
    tpu.vector_store_idx %arg5[%add3A_160, %get3A_157], %broadcast_in_dim3A_6 : memref<128x512xf32, #tpu.memory_space<vmem>>[vector<16xi32>, vector<16xi32>], vector<16xf32>,
    %get3A_161 = arith.constant 208 : index
    %get3A_162 = tpu.vector_load %arg4[%get3A_161] {strides = array<i32>} : memref<1152xi32, #tpu.memory_space<vmem>>, vector<16xi32>,
    %add3A_163 = arith.constant 80 : i32
    %add3A_164 = vector.broadcast %add3A_163 : i32 to vector<16xi32>
    %add3A_165 = arith.addi %iota3A, %add3A_164 : vector<16xi32>
    tpu.vector_store_idx %arg5[%add3A_165, %get3A_162], %broadcast_in_dim3A_6 : memref<128x512xf32, #tpu.memory_space<vmem>>[vector<16xi32>, vector<16xi32>], vector<16xf32>,
    %get3A_166 = arith.constant 224 : index
    %get3A_167 = tpu.vector_load %arg4[%get3A_166] {strides = array<i32>} : memref<1152xi32, #tpu.memory_space<vmem>>, vector<16xi32>,
    %add3A_168 = arith.constant 96 : i32
    %add3A_169 = vector.broadcast %add3A_168 : i32 to vector<16xi32>
    %add3A_170 = arith.addi %iota3A, %add3A_169 : vector<16xi32>
    tpu.vector_store_idx %arg5[%add3A_170, %get3A_167], %broadcast_in_dim3A_6 : memref<128x512xf32, #tpu.memory_space<vmem>>[vector<16xi32>, vector<16xi32>], vector<16xf32>,
    %get3A_171 = arith.constant 240 : index
    %get3A_172 = tpu.vector_load %arg4[%get3A_171] {strides = array<i32>} : memref<1152xi32, #tpu.memory_space<vmem>>, vector<16xi32>,
    %add3A_173 = arith.constant 112 : i32
    %add3A_174 = vector.broadcast %add3A_173 : i32 to vector<16xi32>
    %add3A_175 = arith.addi %iota3A, %add3A_174 : vector<16xi32>
    tpu.vector_store_idx %arg5[%add3A_175, %get3A_172], %broadcast_in_dim3A_6 : memref<128x512xf32, #tpu.memory_space<vmem>>[vector<16xi32>, vector<16xi32>], vector<16xf32>,
    %get3A_176 = arith.constant 256 : index
    %get3A_177 = tpu.vector_load %arg4[%get3A_176] {strides = array<i32>} : memref<1152xi32, #tpu.memory_space<vmem>>, vector<16xi32>,
    %add3A_178 = arith.constant 0 : i32
    %add3A_179 = vector.broadcast %add3A_178 : i32 to vector<16xi32>
    %add3A_180 = arith.addi %iota3A, %add3A_179 : vector<16xi32>
    tpu.vector_store_idx %arg5[%add3A_180, %get3A_177], %broadcast_in_dim3A_4 : memref<128x512xf32, #tpu.memory_space<vmem>>[vector<16xi32>, vector<16xi32>], vector<16xf32>,
    %get3A_181 = arith.constant 272 : index
    %get3A_182 = tpu.vector_load %arg4[%get3A_181] {strides = array<i32>} : memref<1152xi32, #tpu.memory_space<vmem>>, vector<16xi32>,
    %add3A_183 = arith.constant 16 : i32
    %add3A_184 = vector.broadcast %add3A_183 : i32 to vector<16xi32>
    %add3A_185 = arith.addi %iota3A, %add3A_184 : vector<16xi32>
    tpu.vector_store_idx %arg5[%add3A_185, %get3A_182], %broadcast_in_dim3A_4 : memref<128x512xf32, #tpu.memory_space<vmem>>[vector<16xi32>, vector<16xi32>], vector<16xf32>,
    %get3A_186 = arith.constant 288 : index
    %get3A_187 = tpu.vector_load %arg4[%get3A_186] {strides = array<i32>} : memref<1152xi32, #tpu.memory_space<vmem>>, vector<16xi32>,
    %add3A_188 = arith.constant 32 : i32
    %add3A_189 = vector.broadcast %add3A_188 : i32 to vector<16xi32>
    %add3A_190 = arith.addi %iota3A, %add3A_189 : vector<16xi32>
    tpu.vector_store_idx %arg5[%add3A_190, %get3A_187], %broadcast_in_dim3A_4 : memref<128x512xf32, #tpu.memory_space<vmem>>[vector<16xi32>, vector<16xi32>], vector<16xf32>,
    %get3A_191 = arith.constant 304 : index
    %get3A_192 = tpu.vector_load %arg4[%get3A_191] {strides = array<i32>} : memref<1152xi32, #tpu.memory_space<vmem>>, vector<16xi32>,
    %add3A_193 = arith.constant 48 : i32
    %add3A_194 = vector.broadcast %add3A_193 : i32 to vector<16xi32>
    %add3A_195 = arith.addi %iota3A, %add3A_194 : vector<16xi32>
    tpu.vector_store_idx %arg5[%add3A_195, %get3A_192], %broadcast_in_dim3A_4 : memref<128x512xf32, #tpu.memory_space<vmem>>[vector<16xi32>, vector<16xi32>], vector<16xf32>,
    %get3A_196 = arith.constant 320 : index
    %get3A_197 = tpu.vector_load %arg4[%get3A_196] {strides = array<i32>} : memref<1152xi32, #tpu.memory_space<vmem>>, vector<16xi32>,
    %add3A_198 = arith.constant 64 : i32
    %add3A_199 = vector.broadcast %add3A_198 : i32 to vector<16xi32>
    %add3A_200 = arith.addi %iota3A, %add3A_199 : vector<16xi32>
    tpu.vector_store_idx %arg5[%add3A_200, %get3A_197], %broadcast_in_dim3A_4 : memref<128x512xf32, #tpu.memory_space<vmem>>[vector<16xi32>, vector<16xi32>], vector<16xf32>,
    %get3A_201 = arith.constant 336 : index
    %get3A_202 = tpu.vector_load %arg4[%get3A_201] {strides = array<i32>} : memref<1152xi32, #tpu.memory_space<vmem>>, vector<16xi32>,
    %add3A_203 = arith.constant 80 : i32
    %add3A_204 = vector.broadcast %add3A_203 : i32 to vector<16xi32>
    %add3A_205 = arith.addi %iota3A, %add3A_204 : vector<16xi32>
    tpu.vector_store_idx %arg5[%add3A_205, %get3A_202], %broadcast_in_dim3A_4 : memref<128x512xf32, #tpu.memory_space<vmem>>[vector<16xi32>, vector<16xi32>], vector<16xf32>,
    %get3A_206 = arith.constant 352 : index
    %get3A_207 = tpu.vector_load %arg4[%get3A_206] {strides = array<i32>} : memref<1152xi32, #tpu.memory_space<vmem>>, vector<16xi32>,
    %add3A_208 = arith.constant 96 : i32
    %add3A_209 = vector.broadcast %add3A_208 : i32 to vector<16xi32>
    %add3A_210 = arith.addi %iota3A, %add3A_209 : vector<16xi32>
    tpu.vector_store_idx %arg5[%add3A_210, %get3A_207], %broadcast_in_dim3A_4 : memref<128x512xf32, #tpu.memory_space<vmem>>[vector<16xi32>, vector<16xi32>], vector<16xf32>,
    %get3A_211 = arith.constant 368 : index
    %get3A_212 = tpu.vector_load %arg4[%get3A_211] {strides = array<i32>} : memref<1152xi32, #tpu.memory_space<vmem>>, vector<16xi32>,
    %add3A_213 = arith.constant 112 : i32
    %add3A_214 = vector.broadcast %add3A_213 : i32 to vector<16xi32>
    %add3A_215 = arith.addi %iota3A, %add3A_214 : vector<16xi32>
    tpu.vector_store_idx %arg5[%add3A_215, %get3A_212], %broadcast_in_dim3A_4 : memref<128x512xf32, #tpu.memory_space<vmem>>[vector<16xi32>, vector<16xi32>], vector<16xf32>,
    %add3A_216 = arith.constant 256 : i32
    %add3A_217 = arith.addi %mul3A_2, %add3A_216 : i32
    "tpu.region"() ({
      %run_scoped3A = tpu.sem_alloc : memref<!tpu.dma_semaphore, #tpu.memory_space<semaphore_mem>>
      %dma_start3A_750 = arith.constant 0 : i32
      %dma_start3A_751 = tpu.memref_slice %arg3[%add3A_217, %dma_start3A_750] : memref<36864x512xf32, #tpu.memory_space<hbm>> -> memref<128x512xf32, #tpu.memory_space<hbm>>
      %dma_start3A_752 = arith.constant 0 : i32
      %dma_start3A_753 = tpu.memref_slice %arg3[%add3A_217, %dma_start3A_752] : memref<36864x512xf32, #tpu.memory_space<hbm>> -> memref<128x512xf32, #tpu.memory_space<hbm>>
      tpu.enqueue_dma source(%arg5 : memref<128x512xf32, #tpu.memory_space<vmem>>) target(%dma_start3A_753 : memref<128x512xf32, #tpu.memory_space<hbm>>) target_semaphore(%run_scoped3A : memref<!tpu.dma_semaphore, #tpu.memory_space<semaphore_mem>>)
      %dma_wait3A_754 = arith.constant 0 : i32
      %dma_wait3A_755 = tpu.memref_slice %arg3[%add3A_217, %dma_wait3A_754] : memref<36864x512xf32, #tpu.memory_space<hbm>> -> memref<128x512xf32, #tpu.memory_space<hbm>>
      %dma_wait3A_756 = arith.constant 0 : i32
      %dma_wait3A_757 = tpu.memref_slice %arg3[%add3A_217, %dma_wait3A_756] : memref<36864x512xf32, #tpu.memory_space<hbm>> -> memref<128x512xf32, #tpu.memory_space<hbm>>
      tpu.wait_dma2 semaphore(%run_scoped3A : memref<!tpu.dma_semaphore, #tpu.memory_space<semaphore_mem>>) src(%arg5 : memref<128x512xf32, #tpu.memory_space<vmem>>) dst(%dma_wait3A_757 : memref<128x512xf32, #tpu.memory_space<hbm>>)
      tpu.yield
    }) : () -> ()
    %get3A_218 = arith.constant 256 : index
    %get3A_219 = tpu.vector_load %arg4[%get3A_218] {strides = array<i32>} : memref<1152xi32, #tpu.memory_space<vmem>>, vector<16xi32>,
    %add3A_220 = arith.constant 0 : i32
    %add3A_221 = vector.broadcast %add3A_220 : i32 to vector<16xi32>
    %add3A_222 = arith.addi %iota3A, %add3A_221 : vector<16xi32>
    tpu.vector_store_idx %arg5[%add3A_222, %get3A_219], %broadcast_in_dim3A_6 : memref<128x512xf32, #tpu.memory_space<vmem>>[vector<16xi32>, vector<16xi32>], vector<16xf32>,
    %get3A_223 = arith.constant 272 : index
    %get3A_224 = tpu.vector_load %arg4[%get3A_223] {strides = array<i32>} : memref<1152xi32, #tpu.memory_space<vmem>>, vector<16xi32>,
    %add3A_225 = arith.constant 16 : i32
    %add3A_226 = vector.broadcast %add3A_225 : i32 to vector<16xi32>
    %add3A_227 = arith.addi %iota3A, %add3A_226 : vector<16xi32>
    tpu.vector_store_idx %arg5[%add3A_227, %get3A_224], %broadcast_in_dim3A_6 : memref<128x512xf32, #tpu.memory_space<vmem>>[vector<16xi32>, vector<16xi32>], vector<16xf32>,
    %get3A_228 = arith.constant 288 : index
    %get3A_229 = tpu.vector_load %arg4[%get3A_228] {strides = array<i32>} : memref<1152xi32, #tpu.memory_space<vmem>>, vector<16xi32>,
    %add3A_230 = arith.constant 32 : i32
    %add3A_231 = vector.broadcast %add3A_230 : i32 to vector<16xi32>
    %add3A_232 = arith.addi %iota3A, %add3A_231 : vector<16xi32>
    tpu.vector_store_idx %arg5[%add3A_232, %get3A_229], %broadcast_in_dim3A_6 : memref<128x512xf32, #tpu.memory_space<vmem>>[vector<16xi32>, vector<16xi32>], vector<16xf32>,
    %get3A_233 = arith.constant 304 : index
    %get3A_234 = tpu.vector_load %arg4[%get3A_233] {strides = array<i32>} : memref<1152xi32, #tpu.memory_space<vmem>>, vector<16xi32>,
    %add3A_235 = arith.constant 48 : i32
    %add3A_236 = vector.broadcast %add3A_235 : i32 to vector<16xi32>
    %add3A_237 = arith.addi %iota3A, %add3A_236 : vector<16xi32>
    tpu.vector_store_idx %arg5[%add3A_237, %get3A_234], %broadcast_in_dim3A_6 : memref<128x512xf32, #tpu.memory_space<vmem>>[vector<16xi32>, vector<16xi32>], vector<16xf32>,
    %get3A_238 = arith.constant 320 : index
    %get3A_239 = tpu.vector_load %arg4[%get3A_238] {strides = array<i32>} : memref<1152xi32, #tpu.memory_space<vmem>>, vector<16xi32>,
    %add3A_240 = arith.constant 64 : i32
    %add3A_241 = vector.broadcast %add3A_240 : i32 to vector<16xi32>
    %add3A_242 = arith.addi %iota3A, %add3A_241 : vector<16xi32>
    tpu.vector_store_idx %arg5[%add3A_242, %get3A_239], %broadcast_in_dim3A_6 : memref<128x512xf32, #tpu.memory_space<vmem>>[vector<16xi32>, vector<16xi32>], vector<16xf32>,
    %get3A_243 = arith.constant 336 : index
    %get3A_244 = tpu.vector_load %arg4[%get3A_243] {strides = array<i32>} : memref<1152xi32, #tpu.memory_space<vmem>>, vector<16xi32>,
    %add3A_245 = arith.constant 80 : i32
    %add3A_246 = vector.broadcast %add3A_245 : i32 to vector<16xi32>
    %add3A_247 = arith.addi %iota3A, %add3A_246 : vector<16xi32>
    tpu.vector_store_idx %arg5[%add3A_247, %get3A_244], %broadcast_in_dim3A_6 : memref<128x512xf32, #tpu.memory_space<vmem>>[vector<16xi32>, vector<16xi32>], vector<16xf32>,
    %get3A_248 = arith.constant 352 : index
    %get3A_249 = tpu.vector_load %arg4[%get3A_248] {strides = array<i32>} : memref<1152xi32, #tpu.memory_space<vmem>>, vector<16xi32>,
    %add3A_250 = arith.constant 96 : i32
    %add3A_251 = vector.broadcast %add3A_250 : i32 to vector<16xi32>
    %add3A_252 = arith.addi %iota3A, %add3A_251 : vector<16xi32>
    tpu.vector_store_idx %arg5[%add3A_252, %get3A_249], %broadcast_in_dim3A_6 : memref<128x512xf32, #tpu.memory_space<vmem>>[vector<16xi32>, vector<16xi32>], vector<16xf32>,
    %get3A_253 = arith.constant 368 : index
    %get3A_254 = tpu.vector_load %arg4[%get3A_253] {strides = array<i32>} : memref<1152xi32, #tpu.memory_space<vmem>>, vector<16xi32>,
    %add3A_255 = arith.constant 112 : i32
    %add3A_256 = vector.broadcast %add3A_255 : i32 to vector<16xi32>
    %add3A_257 = arith.addi %iota3A, %add3A_256 : vector<16xi32>
    tpu.vector_store_idx %arg5[%add3A_257, %get3A_254], %broadcast_in_dim3A_6 : memref<128x512xf32, #tpu.memory_space<vmem>>[vector<16xi32>, vector<16xi32>], vector<16xf32>,
    %get3A_258 = arith.constant 384 : index
    %get3A_259 = tpu.vector_load %arg4[%get3A_258] {strides = array<i32>} : memref<1152xi32, #tpu.memory_space<vmem>>, vector<16xi32>,
    %add3A_260 = arith.constant 0 : i32
    %add3A_261 = vector.broadcast %add3A_260 : i32 to vector<16xi32>
    %add3A_262 = arith.addi %iota3A, %add3A_261 : vector<16xi32>
    tpu.vector_store_idx %arg5[%add3A_262, %get3A_259], %broadcast_in_dim3A_4 : memref<128x512xf32, #tpu.memory_space<vmem>>[vector<16xi32>, vector<16xi32>], vector<16xf32>,
    %get3A_263 = arith.constant 400 : index
    %get3A_264 = tpu.vector_load %arg4[%get3A_263] {strides = array<i32>} : memref<1152xi32, #tpu.memory_space<vmem>>, vector<16xi32>,
    %add3A_265 = arith.constant 16 : i32
    %add3A_266 = vector.broadcast %add3A_265 : i32 to vector<16xi32>
    %add3A_267 = arith.addi %iota3A, %add3A_266 : vector<16xi32>
    tpu.vector_store_idx %arg5[%add3A_267, %get3A_264], %broadcast_in_dim3A_4 : memref<128x512xf32, #tpu.memory_space<vmem>>[vector<16xi32>, vector<16xi32>], vector<16xf32>,
    %get3A_268 = arith.constant 416 : index
    %get3A_269 = tpu.vector_load %arg4[%get3A_268] {strides = array<i32>} : memref<1152xi32, #tpu.memory_space<vmem>>, vector<16xi32>,
    %add3A_270 = arith.constant 32 : i32
    %add3A_271 = vector.broadcast %add3A_270 : i32 to vector<16xi32>
    %add3A_272 = arith.addi %iota3A, %add3A_271 : vector<16xi32>
    tpu.vector_store_idx %arg5[%add3A_272, %get3A_269], %broadcast_in_dim3A_4 : memref<128x512xf32, #tpu.memory_space<vmem>>[vector<16xi32>, vector<16xi32>], vector<16xf32>,
    %get3A_273 = arith.constant 432 : index
    %get3A_274 = tpu.vector_load %arg4[%get3A_273] {strides = array<i32>} : memref<1152xi32, #tpu.memory_space<vmem>>, vector<16xi32>,
    %add3A_275 = arith.constant 48 : i32
    %add3A_276 = vector.broadcast %add3A_275 : i32 to vector<16xi32>
    %add3A_277 = arith.addi %iota3A, %add3A_276 : vector<16xi32>
    tpu.vector_store_idx %arg5[%add3A_277, %get3A_274], %broadcast_in_dim3A_4 : memref<128x512xf32, #tpu.memory_space<vmem>>[vector<16xi32>, vector<16xi32>], vector<16xf32>,
    %get3A_278 = arith.constant 448 : index
    %get3A_279 = tpu.vector_load %arg4[%get3A_278] {strides = array<i32>} : memref<1152xi32, #tpu.memory_space<vmem>>, vector<16xi32>,
    %add3A_280 = arith.constant 64 : i32
    %add3A_281 = vector.broadcast %add3A_280 : i32 to vector<16xi32>
    %add3A_282 = arith.addi %iota3A, %add3A_281 : vector<16xi32>
    tpu.vector_store_idx %arg5[%add3A_282, %get3A_279], %broadcast_in_dim3A_4 : memref<128x512xf32, #tpu.memory_space<vmem>>[vector<16xi32>, vector<16xi32>], vector<16xf32>,
    %get3A_283 = arith.constant 464 : index
    %get3A_284 = tpu.vector_load %arg4[%get3A_283] {strides = array<i32>} : memref<1152xi32, #tpu.memory_space<vmem>>, vector<16xi32>,
    %add3A_285 = arith.constant 80 : i32
    %add3A_286 = vector.broadcast %add3A_285 : i32 to vector<16xi32>
    %add3A_287 = arith.addi %iota3A, %add3A_286 : vector<16xi32>
    tpu.vector_store_idx %arg5[%add3A_287, %get3A_284], %broadcast_in_dim3A_4 : memref<128x512xf32, #tpu.memory_space<vmem>>[vector<16xi32>, vector<16xi32>], vector<16xf32>,
    %get3A_288 = arith.constant 480 : index
    %get3A_289 = tpu.vector_load %arg4[%get3A_288] {strides = array<i32>} : memref<1152xi32, #tpu.memory_space<vmem>>, vector<16xi32>,
    %add3A_290 = arith.constant 96 : i32
    %add3A_291 = vector.broadcast %add3A_290 : i32 to vector<16xi32>
    %add3A_292 = arith.addi %iota3A, %add3A_291 : vector<16xi32>
    tpu.vector_store_idx %arg5[%add3A_292, %get3A_289], %broadcast_in_dim3A_4 : memref<128x512xf32, #tpu.memory_space<vmem>>[vector<16xi32>, vector<16xi32>], vector<16xf32>,
    %get3A_293 = arith.constant 496 : index
    %get3A_294 = tpu.vector_load %arg4[%get3A_293] {strides = array<i32>} : memref<1152xi32, #tpu.memory_space<vmem>>, vector<16xi32>,
    %add3A_295 = arith.constant 112 : i32
    %add3A_296 = vector.broadcast %add3A_295 : i32 to vector<16xi32>
    %add3A_297 = arith.addi %iota3A, %add3A_296 : vector<16xi32>
    tpu.vector_store_idx %arg5[%add3A_297, %get3A_294], %broadcast_in_dim3A_4 : memref<128x512xf32, #tpu.memory_space<vmem>>[vector<16xi32>, vector<16xi32>], vector<16xf32>,
    %add3A_298 = arith.constant 384 : i32
    %add3A_299 = arith.addi %mul3A_2, %add3A_298 : i32
    "tpu.region"() ({
      %run_scoped3A = tpu.sem_alloc : memref<!tpu.dma_semaphore, #tpu.memory_space<semaphore_mem>>
      %dma_start3A_750 = arith.constant 0 : i32
      %dma_start3A_751 = tpu.memref_slice %arg3[%add3A_299, %dma_start3A_750] : memref<36864x512xf32, #tpu.memory_space<hbm>> -> memref<128x512xf32, #tpu.memory_space<hbm>>
      %dma_start3A_752 = arith.constant 0 : i32
      %dma_start3A_753 = tpu.memref_slice %arg3[%add3A_299, %dma_start3A_752] : memref<36864x512xf32, #tpu.memory_space<hbm>> -> memref<128x512xf32, #tpu.memory_space<hbm>>
      tpu.enqueue_dma source(%arg5 : memref<128x512xf32, #tpu.memory_space<vmem>>) target(%dma_start3A_753 : memref<128x512xf32, #tpu.memory_space<hbm>>) target_semaphore(%run_scoped3A : memref<!tpu.dma_semaphore, #tpu.memory_space<semaphore_mem>>)
      %dma_wait3A_754 = arith.constant 0 : i32
      %dma_wait3A_755 = tpu.memref_slice %arg3[%add3A_299, %dma_wait3A_754] : memref<36864x512xf32, #tpu.memory_space<hbm>> -> memref<128x512xf32, #tpu.memory_space<hbm>>
      %dma_wait3A_756 = arith.constant 0 : i32
      %dma_wait3A_757 = tpu.memref_slice %arg3[%add3A_299, %dma_wait3A_756] : memref<36864x512xf32, #tpu.memory_space<hbm>> -> memref<128x512xf32, #tpu.memory_space<hbm>>
      tpu.wait_dma2 semaphore(%run_scoped3A : memref<!tpu.dma_semaphore, #tpu.memory_space<semaphore_mem>>) src(%arg5 : memref<128x512xf32, #tpu.memory_space<vmem>>) dst(%dma_wait3A_757 : memref<128x512xf32, #tpu.memory_space<hbm>>)
      tpu.yield
    }) : () -> ()
    %get3A_300 = arith.constant 384 : index
    %get3A_301 = tpu.vector_load %arg4[%get3A_300] {strides = array<i32>} : memref<1152xi32, #tpu.memory_space<vmem>>, vector<16xi32>,
    %add3A_302 = arith.constant 0 : i32
    %add3A_303 = vector.broadcast %add3A_302 : i32 to vector<16xi32>
    %add3A_304 = arith.addi %iota3A, %add3A_303 : vector<16xi32>
    tpu.vector_store_idx %arg5[%add3A_304, %get3A_301], %broadcast_in_dim3A_6 : memref<128x512xf32, #tpu.memory_space<vmem>>[vector<16xi32>, vector<16xi32>], vector<16xf32>,
    %get3A_305 = arith.constant 400 : index
    %get3A_306 = tpu.vector_load %arg4[%get3A_305] {strides = array<i32>} : memref<1152xi32, #tpu.memory_space<vmem>>, vector<16xi32>,
    %add3A_307 = arith.constant 16 : i32
    %add3A_308 = vector.broadcast %add3A_307 : i32 to vector<16xi32>
    %add3A_309 = arith.addi %iota3A, %add3A_308 : vector<16xi32>
    tpu.vector_store_idx %arg5[%add3A_309, %get3A_306], %broadcast_in_dim3A_6 : memref<128x512xf32, #tpu.memory_space<vmem>>[vector<16xi32>, vector<16xi32>], vector<16xf32>,
    %get3A_310 = arith.constant 416 : index
    %get3A_311 = tpu.vector_load %arg4[%get3A_310] {strides = array<i32>} : memref<1152xi32, #tpu.memory_space<vmem>>, vector<16xi32>,
    %add3A_312 = arith.constant 32 : i32
    %add3A_313 = vector.broadcast %add3A_312 : i32 to vector<16xi32>
    %add3A_314 = arith.addi %iota3A, %add3A_313 : vector<16xi32>
    tpu.vector_store_idx %arg5[%add3A_314, %get3A_311], %broadcast_in_dim3A_6 : memref<128x512xf32, #tpu.memory_space<vmem>>[vector<16xi32>, vector<16xi32>], vector<16xf32>,
    %get3A_315 = arith.constant 432 : index
    %get3A_316 = tpu.vector_load %arg4[%get3A_315] {strides = array<i32>} : memref<1152xi32, #tpu.memory_space<vmem>>, vector<16xi32>,
    %add3A_317 = arith.constant 48 : i32
    %add3A_318 = vector.broadcast %add3A_317 : i32 to vector<16xi32>
    %add3A_319 = arith.addi %iota3A, %add3A_318 : vector<16xi32>
    tpu.vector_store_idx %arg5[%add3A_319, %get3A_316], %broadcast_in_dim3A_6 : memref<128x512xf32, #tpu.memory_space<vmem>>[vector<16xi32>, vector<16xi32>], vector<16xf32>,
    %get3A_320 = arith.constant 448 : index
    %get3A_321 = tpu.vector_load %arg4[%get3A_320] {strides = array<i32>} : memref<1152xi32, #tpu.memory_space<vmem>>, vector<16xi32>,
    %add3A_322 = arith.constant 64 : i32
    %add3A_323 = vector.broadcast %add3A_322 : i32 to vector<16xi32>
    %add3A_324 = arith.addi %iota3A, %add3A_323 : vector<16xi32>
    tpu.vector_store_idx %arg5[%add3A_324, %get3A_321], %broadcast_in_dim3A_6 : memref<128x512xf32, #tpu.memory_space<vmem>>[vector<16xi32>, vector<16xi32>], vector<16xf32>,
    %get3A_325 = arith.constant 464 : index
    %get3A_326 = tpu.vector_load %arg4[%get3A_325] {strides = array<i32>} : memref<1152xi32, #tpu.memory_space<vmem>>, vector<16xi32>,
    %add3A_327 = arith.constant 80 : i32
    %add3A_328 = vector.broadcast %add3A_327 : i32 to vector<16xi32>
    %add3A_329 = arith.addi %iota3A, %add3A_328 : vector<16xi32>
    tpu.vector_store_idx %arg5[%add3A_329, %get3A_326], %broadcast_in_dim3A_6 : memref<128x512xf32, #tpu.memory_space<vmem>>[vector<16xi32>, vector<16xi32>], vector<16xf32>,
    %get3A_330 = arith.constant 480 : index
    %get3A_331 = tpu.vector_load %arg4[%get3A_330] {strides = array<i32>} : memref<1152xi32, #tpu.memory_space<vmem>>, vector<16xi32>,
    %add3A_332 = arith.constant 96 : i32
    %add3A_333 = vector.broadcast %add3A_332 : i32 to vector<16xi32>
    %add3A_334 = arith.addi %iota3A, %add3A_333 : vector<16xi32>
    tpu.vector_store_idx %arg5[%add3A_334, %get3A_331], %broadcast_in_dim3A_6 : memref<128x512xf32, #tpu.memory_space<vmem>>[vector<16xi32>, vector<16xi32>], vector<16xf32>,
    %get3A_335 = arith.constant 496 : index
    %get3A_336 = tpu.vector_load %arg4[%get3A_335] {strides = array<i32>} : memref<1152xi32, #tpu.memory_space<vmem>>, vector<16xi32>,
    %add3A_337 = arith.constant 112 : i32
    %add3A_338 = vector.broadcast %add3A_337 : i32 to vector<16xi32>
    %add3A_339 = arith.addi %iota3A, %add3A_338 : vector<16xi32>
    tpu.vector_store_idx %arg5[%add3A_339, %get3A_336], %broadcast_in_dim3A_6 : memref<128x512xf32, #tpu.memory_space<vmem>>[vector<16xi32>, vector<16xi32>], vector<16xf32>,
    %get3A_340 = arith.constant 512 : index
    %get3A_341 = tpu.vector_load %arg4[%get3A_340] {strides = array<i32>} : memref<1152xi32, #tpu.memory_space<vmem>>, vector<16xi32>,
    %add3A_342 = arith.constant 0 : i32
    %add3A_343 = vector.broadcast %add3A_342 : i32 to vector<16xi32>
    %add3A_344 = arith.addi %iota3A, %add3A_343 : vector<16xi32>
    tpu.vector_store_idx %arg5[%add3A_344, %get3A_341], %broadcast_in_dim3A_4 : memref<128x512xf32, #tpu.memory_space<vmem>>[vector<16xi32>, vector<16xi32>], vector<16xf32>,
    %get3A_345 = arith.constant 528 : index
    %get3A_346 = tpu.vector_load %arg4[%get3A_345] {strides = array<i32>} : memref<1152xi32, #tpu.memory_space<vmem>>, vector<16xi32>,
    %add3A_347 = arith.constant 16 : i32
    %add3A_348 = vector.broadcast %add3A_347 : i32 to vector<16xi32>
    %add3A_349 = arith.addi %iota3A, %add3A_348 : vector<16xi32>
    tpu.vector_store_idx %arg5[%add3A_349, %get3A_346], %broadcast_in_dim3A_4 : memref<128x512xf32, #tpu.memory_space<vmem>>[vector<16xi32>, vector<16xi32>], vector<16xf32>,
    %get3A_350 = arith.constant 544 : index
    %get3A_351 = tpu.vector_load %arg4[%get3A_350] {strides = array<i32>} : memref<1152xi32, #tpu.memory_space<vmem>>, vector<16xi32>,
    %add3A_352 = arith.constant 32 : i32
    %add3A_353 = vector.broadcast %add3A_352 : i32 to vector<16xi32>
    %add3A_354 = arith.addi %iota3A, %add3A_353 : vector<16xi32>
    tpu.vector_store_idx %arg5[%add3A_354, %get3A_351], %broadcast_in_dim3A_4 : memref<128x512xf32, #tpu.memory_space<vmem>>[vector<16xi32>, vector<16xi32>], vector<16xf32>,
    %get3A_355 = arith.constant 560 : index
    %get3A_356 = tpu.vector_load %arg4[%get3A_355] {strides = array<i32>} : memref<1152xi32, #tpu.memory_space<vmem>>, vector<16xi32>,
    %add3A_357 = arith.constant 48 : i32
    %add3A_358 = vector.broadcast %add3A_357 : i32 to vector<16xi32>
    %add3A_359 = arith.addi %iota3A, %add3A_358 : vector<16xi32>
    tpu.vector_store_idx %arg5[%add3A_359, %get3A_356], %broadcast_in_dim3A_4 : memref<128x512xf32, #tpu.memory_space<vmem>>[vector<16xi32>, vector<16xi32>], vector<16xf32>,
    %get3A_360 = arith.constant 576 : index
    %get3A_361 = tpu.vector_load %arg4[%get3A_360] {strides = array<i32>} : memref<1152xi32, #tpu.memory_space<vmem>>, vector<16xi32>,
    %add3A_362 = arith.constant 64 : i32
    %add3A_363 = vector.broadcast %add3A_362 : i32 to vector<16xi32>
    %add3A_364 = arith.addi %iota3A, %add3A_363 : vector<16xi32>
    tpu.vector_store_idx %arg5[%add3A_364, %get3A_361], %broadcast_in_dim3A_4 : memref<128x512xf32, #tpu.memory_space<vmem>>[vector<16xi32>, vector<16xi32>], vector<16xf32>,
    %get3A_365 = arith.constant 592 : index
    %get3A_366 = tpu.vector_load %arg4[%get3A_365] {strides = array<i32>} : memref<1152xi32, #tpu.memory_space<vmem>>, vector<16xi32>,
    %add3A_367 = arith.constant 80 : i32
    %add3A_368 = vector.broadcast %add3A_367 : i32 to vector<16xi32>
    %add3A_369 = arith.addi %iota3A, %add3A_368 : vector<16xi32>
    tpu.vector_store_idx %arg5[%add3A_369, %get3A_366], %broadcast_in_dim3A_4 : memref<128x512xf32, #tpu.memory_space<vmem>>[vector<16xi32>, vector<16xi32>], vector<16xf32>,
    %get3A_370 = arith.constant 608 : index
    %get3A_371 = tpu.vector_load %arg4[%get3A_370] {strides = array<i32>} : memref<1152xi32, #tpu.memory_space<vmem>>, vector<16xi32>,
    %add3A_372 = arith.constant 96 : i32
    %add3A_373 = vector.broadcast %add3A_372 : i32 to vector<16xi32>
    %add3A_374 = arith.addi %iota3A, %add3A_373 : vector<16xi32>
    tpu.vector_store_idx %arg5[%add3A_374, %get3A_371], %broadcast_in_dim3A_4 : memref<128x512xf32, #tpu.memory_space<vmem>>[vector<16xi32>, vector<16xi32>], vector<16xf32>,
    %get3A_375 = arith.constant 624 : index
    %get3A_376 = tpu.vector_load %arg4[%get3A_375] {strides = array<i32>} : memref<1152xi32, #tpu.memory_space<vmem>>, vector<16xi32>,
    %add3A_377 = arith.constant 112 : i32
    %add3A_378 = vector.broadcast %add3A_377 : i32 to vector<16xi32>
    %add3A_379 = arith.addi %iota3A, %add3A_378 : vector<16xi32>
    tpu.vector_store_idx %arg5[%add3A_379, %get3A_376], %broadcast_in_dim3A_4 : memref<128x512xf32, #tpu.memory_space<vmem>>[vector<16xi32>, vector<16xi32>], vector<16xf32>,
    %add3A_380 = arith.constant 512 : i32
    %add3A_381 = arith.addi %mul3A_2, %add3A_380 : i32
    "tpu.region"() ({
      %run_scoped3A = tpu.sem_alloc : memref<!tpu.dma_semaphore, #tpu.memory_space<semaphore_mem>>
      %dma_start3A_750 = arith.constant 0 : i32
      %dma_start3A_751 = tpu.memref_slice %arg3[%add3A_381, %dma_start3A_750] : memref<36864x512xf32, #tpu.memory_space<hbm>> -> memref<128x512xf32, #tpu.memory_space<hbm>>
      %dma_start3A_752 = arith.constant 0 : i32
      %dma_start3A_753 = tpu.memref_slice %arg3[%add3A_381, %dma_start3A_752] : memref<36864x512xf32, #tpu.memory_space<hbm>> -> memref<128x512xf32, #tpu.memory_space<hbm>>
      tpu.enqueue_dma source(%arg5 : memref<128x512xf32, #tpu.memory_space<vmem>>) target(%dma_start3A_753 : memref<128x512xf32, #tpu.memory_space<hbm>>) target_semaphore(%run_scoped3A : memref<!tpu.dma_semaphore, #tpu.memory_space<semaphore_mem>>)
      %dma_wait3A_754 = arith.constant 0 : i32
      %dma_wait3A_755 = tpu.memref_slice %arg3[%add3A_381, %dma_wait3A_754] : memref<36864x512xf32, #tpu.memory_space<hbm>> -> memref<128x512xf32, #tpu.memory_space<hbm>>
      %dma_wait3A_756 = arith.constant 0 : i32
      %dma_wait3A_757 = tpu.memref_slice %arg3[%add3A_381, %dma_wait3A_756] : memref<36864x512xf32, #tpu.memory_space<hbm>> -> memref<128x512xf32, #tpu.memory_space<hbm>>
      tpu.wait_dma2 semaphore(%run_scoped3A : memref<!tpu.dma_semaphore, #tpu.memory_space<semaphore_mem>>) src(%arg5 : memref<128x512xf32, #tpu.memory_space<vmem>>) dst(%dma_wait3A_757 : memref<128x512xf32, #tpu.memory_space<hbm>>)
      tpu.yield
    }) : () -> ()
    %get3A_382 = arith.constant 512 : index
    %get3A_383 = tpu.vector_load %arg4[%get3A_382] {strides = array<i32>} : memref<1152xi32, #tpu.memory_space<vmem>>, vector<16xi32>,
    %add3A_384 = arith.constant 0 : i32
    %add3A_385 = vector.broadcast %add3A_384 : i32 to vector<16xi32>
    %add3A_386 = arith.addi %iota3A, %add3A_385 : vector<16xi32>
    tpu.vector_store_idx %arg5[%add3A_386, %get3A_383], %broadcast_in_dim3A_6 : memref<128x512xf32, #tpu.memory_space<vmem>>[vector<16xi32>, vector<16xi32>], vector<16xf32>,
    %get3A_387 = arith.constant 528 : index
    %get3A_388 = tpu.vector_load %arg4[%get3A_387] {strides = array<i32>} : memref<1152xi32, #tpu.memory_space<vmem>>, vector<16xi32>,
    %add3A_389 = arith.constant 16 : i32
    %add3A_390 = vector.broadcast %add3A_389 : i32 to vector<16xi32>
    %add3A_391 = arith.addi %iota3A, %add3A_390 : vector<16xi32>
    tpu.vector_store_idx %arg5[%add3A_391, %get3A_388], %broadcast_in_dim3A_6 : memref<128x512xf32, #tpu.memory_space<vmem>>[vector<16xi32>, vector<16xi32>], vector<16xf32>,
    %get3A_392 = arith.constant 544 : index
    %get3A_393 = tpu.vector_load %arg4[%get3A_392] {strides = array<i32>} : memref<1152xi32, #tpu.memory_space<vmem>>, vector<16xi32>,
    %add3A_394 = arith.constant 32 : i32
    %add3A_395 = vector.broadcast %add3A_394 : i32 to vector<16xi32>
    %add3A_396 = arith.addi %iota3A, %add3A_395 : vector<16xi32>
    tpu.vector_store_idx %arg5[%add3A_396, %get3A_393], %broadcast_in_dim3A_6 : memref<128x512xf32, #tpu.memory_space<vmem>>[vector<16xi32>, vector<16xi32>], vector<16xf32>,
    %get3A_397 = arith.constant 560 : index
    %get3A_398 = tpu.vector_load %arg4[%get3A_397] {strides = array<i32>} : memref<1152xi32, #tpu.memory_space<vmem>>, vector<16xi32>,
    %add3A_399 = arith.constant 48 : i32
    %add3A_400 = vector.broadcast %add3A_399 : i32 to vector<16xi32>
    %add3A_401 = arith.addi %iota3A, %add3A_400 : vector<16xi32>
    tpu.vector_store_idx %arg5[%add3A_401, %get3A_398], %broadcast_in_dim3A_6 : memref<128x512xf32, #tpu.memory_space<vmem>>[vector<16xi32>, vector<16xi32>], vector<16xf32>,
    %get3A_402 = arith.constant 576 : index
    %get3A_403 = tpu.vector_load %arg4[%get3A_402] {strides = array<i32>} : memref<1152xi32, #tpu.memory_space<vmem>>, vector<16xi32>,
    %add3A_404 = arith.constant 64 : i32
    %add3A_405 = vector.broadcast %add3A_404 : i32 to vector<16xi32>
    %add3A_406 = arith.addi %iota3A, %add3A_405 : vector<16xi32>
    tpu.vector_store_idx %arg5[%add3A_406, %get3A_403], %broadcast_in_dim3A_6 : memref<128x512xf32, #tpu.memory_space<vmem>>[vector<16xi32>, vector<16xi32>], vector<16xf32>,
    %get3A_407 = arith.constant 592 : index
    %get3A_408 = tpu.vector_load %arg4[%get3A_407] {strides = array<i32>} : memref<1152xi32, #tpu.memory_space<vmem>>, vector<16xi32>,
    %add3A_409 = arith.constant 80 : i32
    %add3A_410 = vector.broadcast %add3A_409 : i32 to vector<16xi32>
    %add3A_411 = arith.addi %iota3A, %add3A_410 : vector<16xi32>
    tpu.vector_store_idx %arg5[%add3A_411, %get3A_408], %broadcast_in_dim3A_6 : memref<128x512xf32, #tpu.memory_space<vmem>>[vector<16xi32>, vector<16xi32>], vector<16xf32>,
    %get3A_412 = arith.constant 608 : index
    %get3A_413 = tpu.vector_load %arg4[%get3A_412] {strides = array<i32>} : memref<1152xi32, #tpu.memory_space<vmem>>, vector<16xi32>,
    %add3A_414 = arith.constant 96 : i32
    %add3A_415 = vector.broadcast %add3A_414 : i32 to vector<16xi32>
    %add3A_416 = arith.addi %iota3A, %add3A_415 : vector<16xi32>
    tpu.vector_store_idx %arg5[%add3A_416, %get3A_413], %broadcast_in_dim3A_6 : memref<128x512xf32, #tpu.memory_space<vmem>>[vector<16xi32>, vector<16xi32>], vector<16xf32>,
    %get3A_417 = arith.constant 624 : index
    %get3A_418 = tpu.vector_load %arg4[%get3A_417] {strides = array<i32>} : memref<1152xi32, #tpu.memory_space<vmem>>, vector<16xi32>,
    %add3A_419 = arith.constant 112 : i32
    %add3A_420 = vector.broadcast %add3A_419 : i32 to vector<16xi32>
    %add3A_421 = arith.addi %iota3A, %add3A_420 : vector<16xi32>
    tpu.vector_store_idx %arg5[%add3A_421, %get3A_418], %broadcast_in_dim3A_6 : memref<128x512xf32, #tpu.memory_space<vmem>>[vector<16xi32>, vector<16xi32>], vector<16xf32>,
    %get3A_422 = arith.constant 640 : index
    %get3A_423 = tpu.vector_load %arg4[%get3A_422] {strides = array<i32>} : memref<1152xi32, #tpu.memory_space<vmem>>, vector<16xi32>,
    %add3A_424 = arith.constant 0 : i32
    %add3A_425 = vector.broadcast %add3A_424 : i32 to vector<16xi32>
    %add3A_426 = arith.addi %iota3A, %add3A_425 : vector<16xi32>
    tpu.vector_store_idx %arg5[%add3A_426, %get3A_423], %broadcast_in_dim3A_4 : memref<128x512xf32, #tpu.memory_space<vmem>>[vector<16xi32>, vector<16xi32>], vector<16xf32>,
    %get3A_427 = arith.constant 656 : index
    %get3A_428 = tpu.vector_load %arg4[%get3A_427] {strides = array<i32>} : memref<1152xi32, #tpu.memory_space<vmem>>, vector<16xi32>,
    %add3A_429 = arith.constant 16 : i32
    %add3A_430 = vector.broadcast %add3A_429 : i32 to vector<16xi32>
    %add3A_431 = arith.addi %iota3A, %add3A_430 : vector<16xi32>
    tpu.vector_store_idx %arg5[%add3A_431, %get3A_428], %broadcast_in_dim3A_4 : memref<128x512xf32, #tpu.memory_space<vmem>>[vector<16xi32>, vector<16xi32>], vector<16xf32>,
    %get3A_432 = arith.constant 672 : index
    %get3A_433 = tpu.vector_load %arg4[%get3A_432] {strides = array<i32>} : memref<1152xi32, #tpu.memory_space<vmem>>, vector<16xi32>,
    %add3A_434 = arith.constant 32 : i32
    %add3A_435 = vector.broadcast %add3A_434 : i32 to vector<16xi32>
    %add3A_436 = arith.addi %iota3A, %add3A_435 : vector<16xi32>
    tpu.vector_store_idx %arg5[%add3A_436, %get3A_433], %broadcast_in_dim3A_4 : memref<128x512xf32, #tpu.memory_space<vmem>>[vector<16xi32>, vector<16xi32>], vector<16xf32>,
    %get3A_437 = arith.constant 688 : index
    %get3A_438 = tpu.vector_load %arg4[%get3A_437] {strides = array<i32>} : memref<1152xi32, #tpu.memory_space<vmem>>, vector<16xi32>,
    %add3A_439 = arith.constant 48 : i32
    %add3A_440 = vector.broadcast %add3A_439 : i32 to vector<16xi32>
    %add3A_441 = arith.addi %iota3A, %add3A_440 : vector<16xi32>
    tpu.vector_store_idx %arg5[%add3A_441, %get3A_438], %broadcast_in_dim3A_4 : memref<128x512xf32, #tpu.memory_space<vmem>>[vector<16xi32>, vector<16xi32>], vector<16xf32>,
    %get3A_442 = arith.constant 704 : index
    %get3A_443 = tpu.vector_load %arg4[%get3A_442] {strides = array<i32>} : memref<1152xi32, #tpu.memory_space<vmem>>, vector<16xi32>,
    %add3A_444 = arith.constant 64 : i32
    %add3A_445 = vector.broadcast %add3A_444 : i32 to vector<16xi32>
    %add3A_446 = arith.addi %iota3A, %add3A_445 : vector<16xi32>
    tpu.vector_store_idx %arg5[%add3A_446, %get3A_443], %broadcast_in_dim3A_4 : memref<128x512xf32, #tpu.memory_space<vmem>>[vector<16xi32>, vector<16xi32>], vector<16xf32>,
    %get3A_447 = arith.constant 720 : index
    %get3A_448 = tpu.vector_load %arg4[%get3A_447] {strides = array<i32>} : memref<1152xi32, #tpu.memory_space<vmem>>, vector<16xi32>,
    %add3A_449 = arith.constant 80 : i32
    %add3A_450 = vector.broadcast %add3A_449 : i32 to vector<16xi32>
    %add3A_451 = arith.addi %iota3A, %add3A_450 : vector<16xi32>
    tpu.vector_store_idx %arg5[%add3A_451, %get3A_448], %broadcast_in_dim3A_4 : memref<128x512xf32, #tpu.memory_space<vmem>>[vector<16xi32>, vector<16xi32>], vector<16xf32>,
    %get3A_452 = arith.constant 736 : index
    %get3A_453 = tpu.vector_load %arg4[%get3A_452] {strides = array<i32>} : memref<1152xi32, #tpu.memory_space<vmem>>, vector<16xi32>,
    %add3A_454 = arith.constant 96 : i32
    %add3A_455 = vector.broadcast %add3A_454 : i32 to vector<16xi32>
    %add3A_456 = arith.addi %iota3A, %add3A_455 : vector<16xi32>
    tpu.vector_store_idx %arg5[%add3A_456, %get3A_453], %broadcast_in_dim3A_4 : memref<128x512xf32, #tpu.memory_space<vmem>>[vector<16xi32>, vector<16xi32>], vector<16xf32>,
    %get3A_457 = arith.constant 752 : index
    %get3A_458 = tpu.vector_load %arg4[%get3A_457] {strides = array<i32>} : memref<1152xi32, #tpu.memory_space<vmem>>, vector<16xi32>,
    %add3A_459 = arith.constant 112 : i32
    %add3A_460 = vector.broadcast %add3A_459 : i32 to vector<16xi32>
    %add3A_461 = arith.addi %iota3A, %add3A_460 : vector<16xi32>
    tpu.vector_store_idx %arg5[%add3A_461, %get3A_458], %broadcast_in_dim3A_4 : memref<128x512xf32, #tpu.memory_space<vmem>>[vector<16xi32>, vector<16xi32>], vector<16xf32>,
    %add3A_462 = arith.constant 640 : i32
    %add3A_463 = arith.addi %mul3A_2, %add3A_462 : i32
    "tpu.region"() ({
      %run_scoped3A = tpu.sem_alloc : memref<!tpu.dma_semaphore, #tpu.memory_space<semaphore_mem>>
      %dma_start3A_750 = arith.constant 0 : i32
      %dma_start3A_751 = tpu.memref_slice %arg3[%add3A_463, %dma_start3A_750] : memref<36864x512xf32, #tpu.memory_space<hbm>> -> memref<128x512xf32, #tpu.memory_space<hbm>>
      %dma_start3A_752 = arith.constant 0 : i32
      %dma_start3A_753 = tpu.memref_slice %arg3[%add3A_463, %dma_start3A_752] : memref<36864x512xf32, #tpu.memory_space<hbm>> -> memref<128x512xf32, #tpu.memory_space<hbm>>
      tpu.enqueue_dma source(%arg5 : memref<128x512xf32, #tpu.memory_space<vmem>>) target(%dma_start3A_753 : memref<128x512xf32, #tpu.memory_space<hbm>>) target_semaphore(%run_scoped3A : memref<!tpu.dma_semaphore, #tpu.memory_space<semaphore_mem>>)
      %dma_wait3A_754 = arith.constant 0 : i32
      %dma_wait3A_755 = tpu.memref_slice %arg3[%add3A_463, %dma_wait3A_754] : memref<36864x512xf32, #tpu.memory_space<hbm>> -> memref<128x512xf32, #tpu.memory_space<hbm>>
      %dma_wait3A_756 = arith.constant 0 : i32
      %dma_wait3A_757 = tpu.memref_slice %arg3[%add3A_463, %dma_wait3A_756] : memref<36864x512xf32, #tpu.memory_space<hbm>> -> memref<128x512xf32, #tpu.memory_space<hbm>>
      tpu.wait_dma2 semaphore(%run_scoped3A : memref<!tpu.dma_semaphore, #tpu.memory_space<semaphore_mem>>) src(%arg5 : memref<128x512xf32, #tpu.memory_space<vmem>>) dst(%dma_wait3A_757 : memref<128x512xf32, #tpu.memory_space<hbm>>)
      tpu.yield
    }) : () -> ()
    %get3A_464 = arith.constant 640 : index
    %get3A_465 = tpu.vector_load %arg4[%get3A_464] {strides = array<i32>} : memref<1152xi32, #tpu.memory_space<vmem>>, vector<16xi32>,
    %add3A_466 = arith.constant 0 : i32
    %add3A_467 = vector.broadcast %add3A_466 : i32 to vector<16xi32>
    %add3A_468 = arith.addi %iota3A, %add3A_467 : vector<16xi32>
    tpu.vector_store_idx %arg5[%add3A_468, %get3A_465], %broadcast_in_dim3A_6 : memref<128x512xf32, #tpu.memory_space<vmem>>[vector<16xi32>, vector<16xi32>], vector<16xf32>,
    %get3A_469 = arith.constant 656 : index
    %get3A_470 = tpu.vector_load %arg4[%get3A_469] {strides = array<i32>} : memref<1152xi32, #tpu.memory_space<vmem>>, vector<16xi32>,
    %add3A_471 = arith.constant 16 : i32
    %add3A_472 = vector.broadcast %add3A_471 : i32 to vector<16xi32>
    %add3A_473 = arith.addi %iota3A, %add3A_472 : vector<16xi32>
    tpu.vector_store_idx %arg5[%add3A_473, %get3A_470], %broadcast_in_dim3A_6 : memref<128x512xf32, #tpu.memory_space<vmem>>[vector<16xi32>, vector<16xi32>], vector<16xf32>,
    %get3A_474 = arith.constant 672 : index
    %get3A_475 = tpu.vector_load %arg4[%get3A_474] {strides = array<i32>} : memref<1152xi32, #tpu.memory_space<vmem>>, vector<16xi32>,
    %add3A_476 = arith.constant 32 : i32
    %add3A_477 = vector.broadcast %add3A_476 : i32 to vector<16xi32>
    %add3A_478 = arith.addi %iota3A, %add3A_477 : vector<16xi32>
    tpu.vector_store_idx %arg5[%add3A_478, %get3A_475], %broadcast_in_dim3A_6 : memref<128x512xf32, #tpu.memory_space<vmem>>[vector<16xi32>, vector<16xi32>], vector<16xf32>,
    %get3A_479 = arith.constant 688 : index
    %get3A_480 = tpu.vector_load %arg4[%get3A_479] {strides = array<i32>} : memref<1152xi32, #tpu.memory_space<vmem>>, vector<16xi32>,
    %add3A_481 = arith.constant 48 : i32
    %add3A_482 = vector.broadcast %add3A_481 : i32 to vector<16xi32>
    %add3A_483 = arith.addi %iota3A, %add3A_482 : vector<16xi32>
    tpu.vector_store_idx %arg5[%add3A_483, %get3A_480], %broadcast_in_dim3A_6 : memref<128x512xf32, #tpu.memory_space<vmem>>[vector<16xi32>, vector<16xi32>], vector<16xf32>,
    %get3A_484 = arith.constant 704 : index
    %get3A_485 = tpu.vector_load %arg4[%get3A_484] {strides = array<i32>} : memref<1152xi32, #tpu.memory_space<vmem>>, vector<16xi32>,
    %add3A_486 = arith.constant 64 : i32
    %add3A_487 = vector.broadcast %add3A_486 : i32 to vector<16xi32>
    %add3A_488 = arith.addi %iota3A, %add3A_487 : vector<16xi32>
    tpu.vector_store_idx %arg5[%add3A_488, %get3A_485], %broadcast_in_dim3A_6 : memref<128x512xf32, #tpu.memory_space<vmem>>[vector<16xi32>, vector<16xi32>], vector<16xf32>,
    %get3A_489 = arith.constant 720 : index
    %get3A_490 = tpu.vector_load %arg4[%get3A_489] {strides = array<i32>} : memref<1152xi32, #tpu.memory_space<vmem>>, vector<16xi32>,
    %add3A_491 = arith.constant 80 : i32
    %add3A_492 = vector.broadcast %add3A_491 : i32 to vector<16xi32>
    %add3A_493 = arith.addi %iota3A, %add3A_492 : vector<16xi32>
    tpu.vector_store_idx %arg5[%add3A_493, %get3A_490], %broadcast_in_dim3A_6 : memref<128x512xf32, #tpu.memory_space<vmem>>[vector<16xi32>, vector<16xi32>], vector<16xf32>,
    %get3A_494 = arith.constant 736 : index
    %get3A_495 = tpu.vector_load %arg4[%get3A_494] {strides = array<i32>} : memref<1152xi32, #tpu.memory_space<vmem>>, vector<16xi32>,
    %add3A_496 = arith.constant 96 : i32
    %add3A_497 = vector.broadcast %add3A_496 : i32 to vector<16xi32>
    %add3A_498 = arith.addi %iota3A, %add3A_497 : vector<16xi32>
    tpu.vector_store_idx %arg5[%add3A_498, %get3A_495], %broadcast_in_dim3A_6 : memref<128x512xf32, #tpu.memory_space<vmem>>[vector<16xi32>, vector<16xi32>], vector<16xf32>,
    %get3A_499 = arith.constant 752 : index
    %get3A_500 = tpu.vector_load %arg4[%get3A_499] {strides = array<i32>} : memref<1152xi32, #tpu.memory_space<vmem>>, vector<16xi32>,
    %add3A_501 = arith.constant 112 : i32
    %add3A_502 = vector.broadcast %add3A_501 : i32 to vector<16xi32>
    %add3A_503 = arith.addi %iota3A, %add3A_502 : vector<16xi32>
    tpu.vector_store_idx %arg5[%add3A_503, %get3A_500], %broadcast_in_dim3A_6 : memref<128x512xf32, #tpu.memory_space<vmem>>[vector<16xi32>, vector<16xi32>], vector<16xf32>,
    %get3A_504 = arith.constant 768 : index
    %get3A_505 = tpu.vector_load %arg4[%get3A_504] {strides = array<i32>} : memref<1152xi32, #tpu.memory_space<vmem>>, vector<16xi32>,
    %add3A_506 = arith.constant 0 : i32
    %add3A_507 = vector.broadcast %add3A_506 : i32 to vector<16xi32>
    %add3A_508 = arith.addi %iota3A, %add3A_507 : vector<16xi32>
    tpu.vector_store_idx %arg5[%add3A_508, %get3A_505], %broadcast_in_dim3A_4 : memref<128x512xf32, #tpu.memory_space<vmem>>[vector<16xi32>, vector<16xi32>], vector<16xf32>,
    %get3A_509 = arith.constant 784 : index
    %get3A_510 = tpu.vector_load %arg4[%get3A_509] {strides = array<i32>} : memref<1152xi32, #tpu.memory_space<vmem>>, vector<16xi32>,
    %add3A_511 = arith.constant 16 : i32
    %add3A_512 = vector.broadcast %add3A_511 : i32 to vector<16xi32>
    %add3A_513 = arith.addi %iota3A, %add3A_512 : vector<16xi32>
    tpu.vector_store_idx %arg5[%add3A_513, %get3A_510], %broadcast_in_dim3A_4 : memref<128x512xf32, #tpu.memory_space<vmem>>[vector<16xi32>, vector<16xi32>], vector<16xf32>,
    %get3A_514 = arith.constant 800 : index
    %get3A_515 = tpu.vector_load %arg4[%get3A_514] {strides = array<i32>} : memref<1152xi32, #tpu.memory_space<vmem>>, vector<16xi32>,
    %add3A_516 = arith.constant 32 : i32
    %add3A_517 = vector.broadcast %add3A_516 : i32 to vector<16xi32>
    %add3A_518 = arith.addi %iota3A, %add3A_517 : vector<16xi32>
    tpu.vector_store_idx %arg5[%add3A_518, %get3A_515], %broadcast_in_dim3A_4 : memref<128x512xf32, #tpu.memory_space<vmem>>[vector<16xi32>, vector<16xi32>], vector<16xf32>,
    %get3A_519 = arith.constant 816 : index
    %get3A_520 = tpu.vector_load %arg4[%get3A_519] {strides = array<i32>} : memref<1152xi32, #tpu.memory_space<vmem>>, vector<16xi32>,
    %add3A_521 = arith.constant 48 : i32
    %add3A_522 = vector.broadcast %add3A_521 : i32 to vector<16xi32>
    %add3A_523 = arith.addi %iota3A, %add3A_522 : vector<16xi32>
    tpu.vector_store_idx %arg5[%add3A_523, %get3A_520], %broadcast_in_dim3A_4 : memref<128x512xf32, #tpu.memory_space<vmem>>[vector<16xi32>, vector<16xi32>], vector<16xf32>,
    %get3A_524 = arith.constant 832 : index
    %get3A_525 = tpu.vector_load %arg4[%get3A_524] {strides = array<i32>} : memref<1152xi32, #tpu.memory_space<vmem>>, vector<16xi32>,
    %add3A_526 = arith.constant 64 : i32
    %add3A_527 = vector.broadcast %add3A_526 : i32 to vector<16xi32>
    %add3A_528 = arith.addi %iota3A, %add3A_527 : vector<16xi32>
    tpu.vector_store_idx %arg5[%add3A_528, %get3A_525], %broadcast_in_dim3A_4 : memref<128x512xf32, #tpu.memory_space<vmem>>[vector<16xi32>, vector<16xi32>], vector<16xf32>,
    %get3A_529 = arith.constant 848 : index
    %get3A_530 = tpu.vector_load %arg4[%get3A_529] {strides = array<i32>} : memref<1152xi32, #tpu.memory_space<vmem>>, vector<16xi32>,
    %add3A_531 = arith.constant 80 : i32
    %add3A_532 = vector.broadcast %add3A_531 : i32 to vector<16xi32>
    %add3A_533 = arith.addi %iota3A, %add3A_532 : vector<16xi32>
    tpu.vector_store_idx %arg5[%add3A_533, %get3A_530], %broadcast_in_dim3A_4 : memref<128x512xf32, #tpu.memory_space<vmem>>[vector<16xi32>, vector<16xi32>], vector<16xf32>,
    %get3A_534 = arith.constant 864 : index
    %get3A_535 = tpu.vector_load %arg4[%get3A_534] {strides = array<i32>} : memref<1152xi32, #tpu.memory_space<vmem>>, vector<16xi32>,
    %add3A_536 = arith.constant 96 : i32
    %add3A_537 = vector.broadcast %add3A_536 : i32 to vector<16xi32>
    %add3A_538 = arith.addi %iota3A, %add3A_537 : vector<16xi32>
    tpu.vector_store_idx %arg5[%add3A_538, %get3A_535], %broadcast_in_dim3A_4 : memref<128x512xf32, #tpu.memory_space<vmem>>[vector<16xi32>, vector<16xi32>], vector<16xf32>,
    %get3A_539 = arith.constant 880 : index
    %get3A_540 = tpu.vector_load %arg4[%get3A_539] {strides = array<i32>} : memref<1152xi32, #tpu.memory_space<vmem>>, vector<16xi32>,
    %add3A_541 = arith.constant 112 : i32
    %add3A_542 = vector.broadcast %add3A_541 : i32 to vector<16xi32>
    %add3A_543 = arith.addi %iota3A, %add3A_542 : vector<16xi32>
    tpu.vector_store_idx %arg5[%add3A_543, %get3A_540], %broadcast_in_dim3A_4 : memref<128x512xf32, #tpu.memory_space<vmem>>[vector<16xi32>, vector<16xi32>], vector<16xf32>,
    %add3A_544 = arith.constant 768 : i32
    %add3A_545 = arith.addi %mul3A_2, %add3A_544 : i32
    "tpu.region"() ({
      %run_scoped3A = tpu.sem_alloc : memref<!tpu.dma_semaphore, #tpu.memory_space<semaphore_mem>>
      %dma_start3A_750 = arith.constant 0 : i32
      %dma_start3A_751 = tpu.memref_slice %arg3[%add3A_545, %dma_start3A_750] : memref<36864x512xf32, #tpu.memory_space<hbm>> -> memref<128x512xf32, #tpu.memory_space<hbm>>
      %dma_start3A_752 = arith.constant 0 : i32
      %dma_start3A_753 = tpu.memref_slice %arg3[%add3A_545, %dma_start3A_752] : memref<36864x512xf32, #tpu.memory_space<hbm>> -> memref<128x512xf32, #tpu.memory_space<hbm>>
      tpu.enqueue_dma source(%arg5 : memref<128x512xf32, #tpu.memory_space<vmem>>) target(%dma_start3A_753 : memref<128x512xf32, #tpu.memory_space<hbm>>) target_semaphore(%run_scoped3A : memref<!tpu.dma_semaphore, #tpu.memory_space<semaphore_mem>>)
      %dma_wait3A_754 = arith.constant 0 : i32
      %dma_wait3A_755 = tpu.memref_slice %arg3[%add3A_545, %dma_wait3A_754] : memref<36864x512xf32, #tpu.memory_space<hbm>> -> memref<128x512xf32, #tpu.memory_space<hbm>>
      %dma_wait3A_756 = arith.constant 0 : i32
      %dma_wait3A_757 = tpu.memref_slice %arg3[%add3A_545, %dma_wait3A_756] : memref<36864x512xf32, #tpu.memory_space<hbm>> -> memref<128x512xf32, #tpu.memory_space<hbm>>
      tpu.wait_dma2 semaphore(%run_scoped3A : memref<!tpu.dma_semaphore, #tpu.memory_space<semaphore_mem>>) src(%arg5 : memref<128x512xf32, #tpu.memory_space<vmem>>) dst(%dma_wait3A_757 : memref<128x512xf32, #tpu.memory_space<hbm>>)
      tpu.yield
    }) : () -> ()
    %get3A_546 = arith.constant 768 : index
    %get3A_547 = tpu.vector_load %arg4[%get3A_546] {strides = array<i32>} : memref<1152xi32, #tpu.memory_space<vmem>>, vector<16xi32>,
    %add3A_548 = arith.constant 0 : i32
    %add3A_549 = vector.broadcast %add3A_548 : i32 to vector<16xi32>
    %add3A_550 = arith.addi %iota3A, %add3A_549 : vector<16xi32>
    tpu.vector_store_idx %arg5[%add3A_550, %get3A_547], %broadcast_in_dim3A_6 : memref<128x512xf32, #tpu.memory_space<vmem>>[vector<16xi32>, vector<16xi32>], vector<16xf32>,
    %get3A_551 = arith.constant 784 : index
    %get3A_552 = tpu.vector_load %arg4[%get3A_551] {strides = array<i32>} : memref<1152xi32, #tpu.memory_space<vmem>>, vector<16xi32>,
    %add3A_553 = arith.constant 16 : i32
    %add3A_554 = vector.broadcast %add3A_553 : i32 to vector<16xi32>
    %add3A_555 = arith.addi %iota3A, %add3A_554 : vector<16xi32>
    tpu.vector_store_idx %arg5[%add3A_555, %get3A_552], %broadcast_in_dim3A_6 : memref<128x512xf32, #tpu.memory_space<vmem>>[vector<16xi32>, vector<16xi32>], vector<16xf32>,
    %get3A_556 = arith.constant 800 : index
    %get3A_557 = tpu.vector_load %arg4[%get3A_556] {strides = array<i32>} : memref<1152xi32, #tpu.memory_space<vmem>>, vector<16xi32>,
    %add3A_558 = arith.constant 32 : i32
    %add3A_559 = vector.broadcast %add3A_558 : i32 to vector<16xi32>
    %add3A_560 = arith.addi %iota3A, %add3A_559 : vector<16xi32>
    tpu.vector_store_idx %arg5[%add3A_560, %get3A_557], %broadcast_in_dim3A_6 : memref<128x512xf32, #tpu.memory_space<vmem>>[vector<16xi32>, vector<16xi32>], vector<16xf32>,
    %get3A_561 = arith.constant 816 : index
    %get3A_562 = tpu.vector_load %arg4[%get3A_561] {strides = array<i32>} : memref<1152xi32, #tpu.memory_space<vmem>>, vector<16xi32>,
    %add3A_563 = arith.constant 48 : i32
    %add3A_564 = vector.broadcast %add3A_563 : i32 to vector<16xi32>
    %add3A_565 = arith.addi %iota3A, %add3A_564 : vector<16xi32>
    tpu.vector_store_idx %arg5[%add3A_565, %get3A_562], %broadcast_in_dim3A_6 : memref<128x512xf32, #tpu.memory_space<vmem>>[vector<16xi32>, vector<16xi32>], vector<16xf32>,
    %get3A_566 = arith.constant 832 : index
    %get3A_567 = tpu.vector_load %arg4[%get3A_566] {strides = array<i32>} : memref<1152xi32, #tpu.memory_space<vmem>>, vector<16xi32>,
    %add3A_568 = arith.constant 64 : i32
    %add3A_569 = vector.broadcast %add3A_568 : i32 to vector<16xi32>
    %add3A_570 = arith.addi %iota3A, %add3A_569 : vector<16xi32>
    tpu.vector_store_idx %arg5[%add3A_570, %get3A_567], %broadcast_in_dim3A_6 : memref<128x512xf32, #tpu.memory_space<vmem>>[vector<16xi32>, vector<16xi32>], vector<16xf32>,
    %get3A_571 = arith.constant 848 : index
    %get3A_572 = tpu.vector_load %arg4[%get3A_571] {strides = array<i32>} : memref<1152xi32, #tpu.memory_space<vmem>>, vector<16xi32>,
    %add3A_573 = arith.constant 80 : i32
    %add3A_574 = vector.broadcast %add3A_573 : i32 to vector<16xi32>
    %add3A_575 = arith.addi %iota3A, %add3A_574 : vector<16xi32>
    tpu.vector_store_idx %arg5[%add3A_575, %get3A_572], %broadcast_in_dim3A_6 : memref<128x512xf32, #tpu.memory_space<vmem>>[vector<16xi32>, vector<16xi32>], vector<16xf32>,
    %get3A_576 = arith.constant 864 : index
    %get3A_577 = tpu.vector_load %arg4[%get3A_576] {strides = array<i32>} : memref<1152xi32, #tpu.memory_space<vmem>>, vector<16xi32>,
    %add3A_578 = arith.constant 96 : i32
    %add3A_579 = vector.broadcast %add3A_578 : i32 to vector<16xi32>
    %add3A_580 = arith.addi %iota3A, %add3A_579 : vector<16xi32>
    tpu.vector_store_idx %arg5[%add3A_580, %get3A_577], %broadcast_in_dim3A_6 : memref<128x512xf32, #tpu.memory_space<vmem>>[vector<16xi32>, vector<16xi32>], vector<16xf32>,
    %get3A_581 = arith.constant 880 : index
    %get3A_582 = tpu.vector_load %arg4[%get3A_581] {strides = array<i32>} : memref<1152xi32, #tpu.memory_space<vmem>>, vector<16xi32>,
    %add3A_583 = arith.constant 112 : i32
    %add3A_584 = vector.broadcast %add3A_583 : i32 to vector<16xi32>
    %add3A_585 = arith.addi %iota3A, %add3A_584 : vector<16xi32>
    tpu.vector_store_idx %arg5[%add3A_585, %get3A_582], %broadcast_in_dim3A_6 : memref<128x512xf32, #tpu.memory_space<vmem>>[vector<16xi32>, vector<16xi32>], vector<16xf32>,
    %get3A_586 = arith.constant 896 : index
    %get3A_587 = tpu.vector_load %arg4[%get3A_586] {strides = array<i32>} : memref<1152xi32, #tpu.memory_space<vmem>>, vector<16xi32>,
    %add3A_588 = arith.constant 0 : i32
    %add3A_589 = vector.broadcast %add3A_588 : i32 to vector<16xi32>
    %add3A_590 = arith.addi %iota3A, %add3A_589 : vector<16xi32>
    tpu.vector_store_idx %arg5[%add3A_590, %get3A_587], %broadcast_in_dim3A_4 : memref<128x512xf32, #tpu.memory_space<vmem>>[vector<16xi32>, vector<16xi32>], vector<16xf32>,
    %get3A_591 = arith.constant 912 : index
    %get3A_592 = tpu.vector_load %arg4[%get3A_591] {strides = array<i32>} : memref<1152xi32, #tpu.memory_space<vmem>>, vector<16xi32>,
    %add3A_593 = arith.constant 16 : i32
    %add3A_594 = vector.broadcast %add3A_593 : i32 to vector<16xi32>
    %add3A_595 = arith.addi %iota3A, %add3A_594 : vector<16xi32>
    tpu.vector_store_idx %arg5[%add3A_595, %get3A_592], %broadcast_in_dim3A_4 : memref<128x512xf32, #tpu.memory_space<vmem>>[vector<16xi32>, vector<16xi32>], vector<16xf32>,
    %get3A_596 = arith.constant 928 : index
    %get3A_597 = tpu.vector_load %arg4[%get3A_596] {strides = array<i32>} : memref<1152xi32, #tpu.memory_space<vmem>>, vector<16xi32>,
    %add3A_598 = arith.constant 32 : i32
    %add3A_599 = vector.broadcast %add3A_598 : i32 to vector<16xi32>
    %add3A_600 = arith.addi %iota3A, %add3A_599 : vector<16xi32>
    tpu.vector_store_idx %arg5[%add3A_600, %get3A_597], %broadcast_in_dim3A_4 : memref<128x512xf32, #tpu.memory_space<vmem>>[vector<16xi32>, vector<16xi32>], vector<16xf32>,
    %get3A_601 = arith.constant 944 : index
    %get3A_602 = tpu.vector_load %arg4[%get3A_601] {strides = array<i32>} : memref<1152xi32, #tpu.memory_space<vmem>>, vector<16xi32>,
    %add3A_603 = arith.constant 48 : i32
    %add3A_604 = vector.broadcast %add3A_603 : i32 to vector<16xi32>
    %add3A_605 = arith.addi %iota3A, %add3A_604 : vector<16xi32>
    tpu.vector_store_idx %arg5[%add3A_605, %get3A_602], %broadcast_in_dim3A_4 : memref<128x512xf32, #tpu.memory_space<vmem>>[vector<16xi32>, vector<16xi32>], vector<16xf32>,
    %get3A_606 = arith.constant 960 : index
    %get3A_607 = tpu.vector_load %arg4[%get3A_606] {strides = array<i32>} : memref<1152xi32, #tpu.memory_space<vmem>>, vector<16xi32>,
    %add3A_608 = arith.constant 64 : i32
    %add3A_609 = vector.broadcast %add3A_608 : i32 to vector<16xi32>
    %add3A_610 = arith.addi %iota3A, %add3A_609 : vector<16xi32>
    tpu.vector_store_idx %arg5[%add3A_610, %get3A_607], %broadcast_in_dim3A_4 : memref<128x512xf32, #tpu.memory_space<vmem>>[vector<16xi32>, vector<16xi32>], vector<16xf32>,
    %get3A_611 = arith.constant 976 : index
    %get3A_612 = tpu.vector_load %arg4[%get3A_611] {strides = array<i32>} : memref<1152xi32, #tpu.memory_space<vmem>>, vector<16xi32>,
    %add3A_613 = arith.constant 80 : i32
    %add3A_614 = vector.broadcast %add3A_613 : i32 to vector<16xi32>
    %add3A_615 = arith.addi %iota3A, %add3A_614 : vector<16xi32>
    tpu.vector_store_idx %arg5[%add3A_615, %get3A_612], %broadcast_in_dim3A_4 : memref<128x512xf32, #tpu.memory_space<vmem>>[vector<16xi32>, vector<16xi32>], vector<16xf32>,
    %get3A_616 = arith.constant 992 : index
    %get3A_617 = tpu.vector_load %arg4[%get3A_616] {strides = array<i32>} : memref<1152xi32, #tpu.memory_space<vmem>>, vector<16xi32>,
    %add3A_618 = arith.constant 96 : i32
    %add3A_619 = vector.broadcast %add3A_618 : i32 to vector<16xi32>
    %add3A_620 = arith.addi %iota3A, %add3A_619 : vector<16xi32>
    tpu.vector_store_idx %arg5[%add3A_620, %get3A_617], %broadcast_in_dim3A_4 : memref<128x512xf32, #tpu.memory_space<vmem>>[vector<16xi32>, vector<16xi32>], vector<16xf32>,
    %get3A_621 = arith.constant 1008 : index
    %get3A_622 = tpu.vector_load %arg4[%get3A_621] {strides = array<i32>} : memref<1152xi32, #tpu.memory_space<vmem>>, vector<16xi32>,
    %add3A_623 = arith.constant 112 : i32
    %add3A_624 = vector.broadcast %add3A_623 : i32 to vector<16xi32>
    %add3A_625 = arith.addi %iota3A, %add3A_624 : vector<16xi32>
    tpu.vector_store_idx %arg5[%add3A_625, %get3A_622], %broadcast_in_dim3A_4 : memref<128x512xf32, #tpu.memory_space<vmem>>[vector<16xi32>, vector<16xi32>], vector<16xf32>,
    %add3A_626 = arith.constant 896 : i32
    %add3A_627 = arith.addi %mul3A_2, %add3A_626 : i32
    "tpu.region"() ({
      %run_scoped3A = tpu.sem_alloc : memref<!tpu.dma_semaphore, #tpu.memory_space<semaphore_mem>>
      %dma_start3A_750 = arith.constant 0 : i32
      %dma_start3A_751 = tpu.memref_slice %arg3[%add3A_627, %dma_start3A_750] : memref<36864x512xf32, #tpu.memory_space<hbm>> -> memref<128x512xf32, #tpu.memory_space<hbm>>
      %dma_start3A_752 = arith.constant 0 : i32
      %dma_start3A_753 = tpu.memref_slice %arg3[%add3A_627, %dma_start3A_752] : memref<36864x512xf32, #tpu.memory_space<hbm>> -> memref<128x512xf32, #tpu.memory_space<hbm>>
      tpu.enqueue_dma source(%arg5 : memref<128x512xf32, #tpu.memory_space<vmem>>) target(%dma_start3A_753 : memref<128x512xf32, #tpu.memory_space<hbm>>) target_semaphore(%run_scoped3A : memref<!tpu.dma_semaphore, #tpu.memory_space<semaphore_mem>>)
      %dma_wait3A_754 = arith.constant 0 : i32
      %dma_wait3A_755 = tpu.memref_slice %arg3[%add3A_627, %dma_wait3A_754] : memref<36864x512xf32, #tpu.memory_space<hbm>> -> memref<128x512xf32, #tpu.memory_space<hbm>>
      %dma_wait3A_756 = arith.constant 0 : i32
      %dma_wait3A_757 = tpu.memref_slice %arg3[%add3A_627, %dma_wait3A_756] : memref<36864x512xf32, #tpu.memory_space<hbm>> -> memref<128x512xf32, #tpu.memory_space<hbm>>
      tpu.wait_dma2 semaphore(%run_scoped3A : memref<!tpu.dma_semaphore, #tpu.memory_space<semaphore_mem>>) src(%arg5 : memref<128x512xf32, #tpu.memory_space<vmem>>) dst(%dma_wait3A_757 : memref<128x512xf32, #tpu.memory_space<hbm>>)
      tpu.yield
    }) : () -> ()
    %get3A_628 = arith.constant 896 : index
    %get3A_629 = tpu.vector_load %arg4[%get3A_628] {strides = array<i32>} : memref<1152xi32, #tpu.memory_space<vmem>>, vector<16xi32>,
    %add3A_630 = arith.constant 0 : i32
    %add3A_631 = vector.broadcast %add3A_630 : i32 to vector<16xi32>
    %add3A_632 = arith.addi %iota3A, %add3A_631 : vector<16xi32>
    tpu.vector_store_idx %arg5[%add3A_632, %get3A_629], %broadcast_in_dim3A_6 : memref<128x512xf32, #tpu.memory_space<vmem>>[vector<16xi32>, vector<16xi32>], vector<16xf32>,
    %get3A_633 = arith.constant 912 : index
    %get3A_634 = tpu.vector_load %arg4[%get3A_633] {strides = array<i32>} : memref<1152xi32, #tpu.memory_space<vmem>>, vector<16xi32>,
    %add3A_635 = arith.constant 16 : i32
    %add3A_636 = vector.broadcast %add3A_635 : i32 to vector<16xi32>
    %add3A_637 = arith.addi %iota3A, %add3A_636 : vector<16xi32>
    tpu.vector_store_idx %arg5[%add3A_637, %get3A_634], %broadcast_in_dim3A_6 : memref<128x512xf32, #tpu.memory_space<vmem>>[vector<16xi32>, vector<16xi32>], vector<16xf32>,
    %get3A_638 = arith.constant 928 : index
    %get3A_639 = tpu.vector_load %arg4[%get3A_638] {strides = array<i32>} : memref<1152xi32, #tpu.memory_space<vmem>>, vector<16xi32>,
    %add3A_640 = arith.constant 32 : i32
    %add3A_641 = vector.broadcast %add3A_640 : i32 to vector<16xi32>
    %add3A_642 = arith.addi %iota3A, %add3A_641 : vector<16xi32>
    tpu.vector_store_idx %arg5[%add3A_642, %get3A_639], %broadcast_in_dim3A_6 : memref<128x512xf32, #tpu.memory_space<vmem>>[vector<16xi32>, vector<16xi32>], vector<16xf32>,
    %get3A_643 = arith.constant 944 : index
    %get3A_644 = tpu.vector_load %arg4[%get3A_643] {strides = array<i32>} : memref<1152xi32, #tpu.memory_space<vmem>>, vector<16xi32>,
    %add3A_645 = arith.constant 48 : i32
    %add3A_646 = vector.broadcast %add3A_645 : i32 to vector<16xi32>
    %add3A_647 = arith.addi %iota3A, %add3A_646 : vector<16xi32>
    tpu.vector_store_idx %arg5[%add3A_647, %get3A_644], %broadcast_in_dim3A_6 : memref<128x512xf32, #tpu.memory_space<vmem>>[vector<16xi32>, vector<16xi32>], vector<16xf32>,
    %get3A_648 = arith.constant 960 : index
    %get3A_649 = tpu.vector_load %arg4[%get3A_648] {strides = array<i32>} : memref<1152xi32, #tpu.memory_space<vmem>>, vector<16xi32>,
    %add3A_650 = arith.constant 64 : i32
    %add3A_651 = vector.broadcast %add3A_650 : i32 to vector<16xi32>
    %add3A_652 = arith.addi %iota3A, %add3A_651 : vector<16xi32>
    tpu.vector_store_idx %arg5[%add3A_652, %get3A_649], %broadcast_in_dim3A_6 : memref<128x512xf32, #tpu.memory_space<vmem>>[vector<16xi32>, vector<16xi32>], vector<16xf32>,
    %get3A_653 = arith.constant 976 : index
    %get3A_654 = tpu.vector_load %arg4[%get3A_653] {strides = array<i32>} : memref<1152xi32, #tpu.memory_space<vmem>>, vector<16xi32>,
    %add3A_655 = arith.constant 80 : i32
    %add3A_656 = vector.broadcast %add3A_655 : i32 to vector<16xi32>
    %add3A_657 = arith.addi %iota3A, %add3A_656 : vector<16xi32>
    tpu.vector_store_idx %arg5[%add3A_657, %get3A_654], %broadcast_in_dim3A_6 : memref<128x512xf32, #tpu.memory_space<vmem>>[vector<16xi32>, vector<16xi32>], vector<16xf32>,
    %get3A_658 = arith.constant 992 : index
    %get3A_659 = tpu.vector_load %arg4[%get3A_658] {strides = array<i32>} : memref<1152xi32, #tpu.memory_space<vmem>>, vector<16xi32>,
    %add3A_660 = arith.constant 96 : i32
    %add3A_661 = vector.broadcast %add3A_660 : i32 to vector<16xi32>
    %add3A_662 = arith.addi %iota3A, %add3A_661 : vector<16xi32>
    tpu.vector_store_idx %arg5[%add3A_662, %get3A_659], %broadcast_in_dim3A_6 : memref<128x512xf32, #tpu.memory_space<vmem>>[vector<16xi32>, vector<16xi32>], vector<16xf32>,
    %get3A_663 = arith.constant 1008 : index
    %get3A_664 = tpu.vector_load %arg4[%get3A_663] {strides = array<i32>} : memref<1152xi32, #tpu.memory_space<vmem>>, vector<16xi32>,
    %add3A_665 = arith.constant 112 : i32
    %add3A_666 = vector.broadcast %add3A_665 : i32 to vector<16xi32>
    %add3A_667 = arith.addi %iota3A, %add3A_666 : vector<16xi32>
    tpu.vector_store_idx %arg5[%add3A_667, %get3A_664], %broadcast_in_dim3A_6 : memref<128x512xf32, #tpu.memory_space<vmem>>[vector<16xi32>, vector<16xi32>], vector<16xf32>,
    %get3A_668 = arith.constant 1024 : index
    %get3A_669 = tpu.vector_load %arg4[%get3A_668] {strides = array<i32>} : memref<1152xi32, #tpu.memory_space<vmem>>, vector<16xi32>,
    %add3A_670 = arith.constant 0 : i32
    %add3A_671 = vector.broadcast %add3A_670 : i32 to vector<16xi32>
    %add3A_672 = arith.addi %iota3A, %add3A_671 : vector<16xi32>
    tpu.vector_store_idx %arg5[%add3A_672, %get3A_669], %broadcast_in_dim3A_4 : memref<128x512xf32, #tpu.memory_space<vmem>>[vector<16xi32>, vector<16xi32>], vector<16xf32>,
    %get3A_673 = arith.constant 1040 : index
    %get3A_674 = tpu.vector_load %arg4[%get3A_673] {strides = array<i32>} : memref<1152xi32, #tpu.memory_space<vmem>>, vector<16xi32>,
    %add3A_675 = arith.constant 16 : i32
    %add3A_676 = vector.broadcast %add3A_675 : i32 to vector<16xi32>
    %add3A_677 = arith.addi %iota3A, %add3A_676 : vector<16xi32>
    tpu.vector_store_idx %arg5[%add3A_677, %get3A_674], %broadcast_in_dim3A_4 : memref<128x512xf32, #tpu.memory_space<vmem>>[vector<16xi32>, vector<16xi32>], vector<16xf32>,
    %get3A_678 = arith.constant 1056 : index
    %get3A_679 = tpu.vector_load %arg4[%get3A_678] {strides = array<i32>} : memref<1152xi32, #tpu.memory_space<vmem>>, vector<16xi32>,
    %add3A_680 = arith.constant 32 : i32
    %add3A_681 = vector.broadcast %add3A_680 : i32 to vector<16xi32>
    %add3A_682 = arith.addi %iota3A, %add3A_681 : vector<16xi32>
    tpu.vector_store_idx %arg5[%add3A_682, %get3A_679], %broadcast_in_dim3A_4 : memref<128x512xf32, #tpu.memory_space<vmem>>[vector<16xi32>, vector<16xi32>], vector<16xf32>,
    %get3A_683 = arith.constant 1072 : index
    %get3A_684 = tpu.vector_load %arg4[%get3A_683] {strides = array<i32>} : memref<1152xi32, #tpu.memory_space<vmem>>, vector<16xi32>,
    %add3A_685 = arith.constant 48 : i32
    %add3A_686 = vector.broadcast %add3A_685 : i32 to vector<16xi32>
    %add3A_687 = arith.addi %iota3A, %add3A_686 : vector<16xi32>
    tpu.vector_store_idx %arg5[%add3A_687, %get3A_684], %broadcast_in_dim3A_4 : memref<128x512xf32, #tpu.memory_space<vmem>>[vector<16xi32>, vector<16xi32>], vector<16xf32>,
    %get3A_688 = arith.constant 1088 : index
    %get3A_689 = tpu.vector_load %arg4[%get3A_688] {strides = array<i32>} : memref<1152xi32, #tpu.memory_space<vmem>>, vector<16xi32>,
    %add3A_690 = arith.constant 64 : i32
    %add3A_691 = vector.broadcast %add3A_690 : i32 to vector<16xi32>
    %add3A_692 = arith.addi %iota3A, %add3A_691 : vector<16xi32>
    tpu.vector_store_idx %arg5[%add3A_692, %get3A_689], %broadcast_in_dim3A_4 : memref<128x512xf32, #tpu.memory_space<vmem>>[vector<16xi32>, vector<16xi32>], vector<16xf32>,
    %get3A_693 = arith.constant 1104 : index
    %get3A_694 = tpu.vector_load %arg4[%get3A_693] {strides = array<i32>} : memref<1152xi32, #tpu.memory_space<vmem>>, vector<16xi32>,
    %add3A_695 = arith.constant 80 : i32
    %add3A_696 = vector.broadcast %add3A_695 : i32 to vector<16xi32>
    %add3A_697 = arith.addi %iota3A, %add3A_696 : vector<16xi32>
    tpu.vector_store_idx %arg5[%add3A_697, %get3A_694], %broadcast_in_dim3A_4 : memref<128x512xf32, #tpu.memory_space<vmem>>[vector<16xi32>, vector<16xi32>], vector<16xf32>,
    %get3A_698 = arith.constant 1120 : index
    %get3A_699 = tpu.vector_load %arg4[%get3A_698] {strides = array<i32>} : memref<1152xi32, #tpu.memory_space<vmem>>, vector<16xi32>,
    %add3A_700 = arith.constant 96 : i32
    %add3A_701 = vector.broadcast %add3A_700 : i32 to vector<16xi32>
    %add3A_702 = arith.addi %iota3A, %add3A_701 : vector<16xi32>
    tpu.vector_store_idx %arg5[%add3A_702, %get3A_699], %broadcast_in_dim3A_4 : memref<128x512xf32, #tpu.memory_space<vmem>>[vector<16xi32>, vector<16xi32>], vector<16xf32>,
    %get3A_703 = arith.constant 1136 : index
    %get3A_704 = tpu.vector_load %arg4[%get3A_703] {strides = array<i32>} : memref<1152xi32, #tpu.memory_space<vmem>>, vector<16xi32>,
    %add3A_705 = arith.constant 112 : i32
    %add3A_706 = vector.broadcast %add3A_705 : i32 to vector<16xi32>
    %add3A_707 = arith.addi %iota3A, %add3A_706 : vector<16xi32>
    tpu.vector_store_idx %arg5[%add3A_707, %get3A_704], %broadcast_in_dim3A_4 : memref<128x512xf32, #tpu.memory_space<vmem>>[vector<16xi32>, vector<16xi32>], vector<16xf32>,
    %add3A_708 = arith.constant 1024 : i32
    %add3A_709 = arith.addi %mul3A_2, %add3A_708 : i32
    "tpu.region"() ({
      %run_scoped3A = tpu.sem_alloc : memref<!tpu.dma_semaphore, #tpu.memory_space<semaphore_mem>>
      %dma_start3A_750 = arith.constant 0 : i32
      %dma_start3A_751 = tpu.memref_slice %arg3[%add3A_709, %dma_start3A_750] : memref<36864x512xf32, #tpu.memory_space<hbm>> -> memref<128x512xf32, #tpu.memory_space<hbm>>
      %dma_start3A_752 = arith.constant 0 : i32
      %dma_start3A_753 = tpu.memref_slice %arg3[%add3A_709, %dma_start3A_752] : memref<36864x512xf32, #tpu.memory_space<hbm>> -> memref<128x512xf32, #tpu.memory_space<hbm>>
      tpu.enqueue_dma source(%arg5 : memref<128x512xf32, #tpu.memory_space<vmem>>) target(%dma_start3A_753 : memref<128x512xf32, #tpu.memory_space<hbm>>) target_semaphore(%run_scoped3A : memref<!tpu.dma_semaphore, #tpu.memory_space<semaphore_mem>>)
      %dma_wait3A_754 = arith.constant 0 : i32
      %dma_wait3A_755 = tpu.memref_slice %arg3[%add3A_709, %dma_wait3A_754] : memref<36864x512xf32, #tpu.memory_space<hbm>> -> memref<128x512xf32, #tpu.memory_space<hbm>>
      %dma_wait3A_756 = arith.constant 0 : i32
      %dma_wait3A_757 = tpu.memref_slice %arg3[%add3A_709, %dma_wait3A_756] : memref<36864x512xf32, #tpu.memory_space<hbm>> -> memref<128x512xf32, #tpu.memory_space<hbm>>
      tpu.wait_dma2 semaphore(%run_scoped3A : memref<!tpu.dma_semaphore, #tpu.memory_space<semaphore_mem>>) src(%arg5 : memref<128x512xf32, #tpu.memory_space<vmem>>) dst(%dma_wait3A_757 : memref<128x512xf32, #tpu.memory_space<hbm>>)
      tpu.yield
    }) : () -> ()
    %get3A_710 = arith.constant 1024 : index
    %get3A_711 = tpu.vector_load %arg4[%get3A_710] {strides = array<i32>} : memref<1152xi32, #tpu.memory_space<vmem>>, vector<16xi32>,
    %add3A_712 = arith.constant 0 : i32
    %add3A_713 = vector.broadcast %add3A_712 : i32 to vector<16xi32>
    %add3A_714 = arith.addi %iota3A, %add3A_713 : vector<16xi32>
    tpu.vector_store_idx %arg5[%add3A_714, %get3A_711], %broadcast_in_dim3A_6 : memref<128x512xf32, #tpu.memory_space<vmem>>[vector<16xi32>, vector<16xi32>], vector<16xf32>,
    %get3A_715 = arith.constant 1040 : index
    %get3A_716 = tpu.vector_load %arg4[%get3A_715] {strides = array<i32>} : memref<1152xi32, #tpu.memory_space<vmem>>, vector<16xi32>,
    %add3A_717 = arith.constant 16 : i32
    %add3A_718 = vector.broadcast %add3A_717 : i32 to vector<16xi32>
    %add3A_719 = arith.addi %iota3A, %add3A_718 : vector<16xi32>
    tpu.vector_store_idx %arg5[%add3A_719, %get3A_716], %broadcast_in_dim3A_6 : memref<128x512xf32, #tpu.memory_space<vmem>>[vector<16xi32>, vector<16xi32>], vector<16xf32>,
    %get3A_720 = arith.constant 1056 : index
    %get3A_721 = tpu.vector_load %arg4[%get3A_720] {strides = array<i32>} : memref<1152xi32, #tpu.memory_space<vmem>>, vector<16xi32>,
    %add3A_722 = arith.constant 32 : i32
    %add3A_723 = vector.broadcast %add3A_722 : i32 to vector<16xi32>
    %add3A_724 = arith.addi %iota3A, %add3A_723 : vector<16xi32>
    tpu.vector_store_idx %arg5[%add3A_724, %get3A_721], %broadcast_in_dim3A_6 : memref<128x512xf32, #tpu.memory_space<vmem>>[vector<16xi32>, vector<16xi32>], vector<16xf32>,
    %get3A_725 = arith.constant 1072 : index
    %get3A_726 = tpu.vector_load %arg4[%get3A_725] {strides = array<i32>} : memref<1152xi32, #tpu.memory_space<vmem>>, vector<16xi32>,
    %add3A_727 = arith.constant 48 : i32
    %add3A_728 = vector.broadcast %add3A_727 : i32 to vector<16xi32>
    %add3A_729 = arith.addi %iota3A, %add3A_728 : vector<16xi32>
    tpu.vector_store_idx %arg5[%add3A_729, %get3A_726], %broadcast_in_dim3A_6 : memref<128x512xf32, #tpu.memory_space<vmem>>[vector<16xi32>, vector<16xi32>], vector<16xf32>,
    %get3A_730 = arith.constant 1088 : index
    %get3A_731 = tpu.vector_load %arg4[%get3A_730] {strides = array<i32>} : memref<1152xi32, #tpu.memory_space<vmem>>, vector<16xi32>,
    %add3A_732 = arith.constant 64 : i32
    %add3A_733 = vector.broadcast %add3A_732 : i32 to vector<16xi32>
    %add3A_734 = arith.addi %iota3A, %add3A_733 : vector<16xi32>
    tpu.vector_store_idx %arg5[%add3A_734, %get3A_731], %broadcast_in_dim3A_6 : memref<128x512xf32, #tpu.memory_space<vmem>>[vector<16xi32>, vector<16xi32>], vector<16xf32>,
    %get3A_735 = arith.constant 1104 : index
    %get3A_736 = tpu.vector_load %arg4[%get3A_735] {strides = array<i32>} : memref<1152xi32, #tpu.memory_space<vmem>>, vector<16xi32>,
    %add3A_737 = arith.constant 80 : i32
    %add3A_738 = vector.broadcast %add3A_737 : i32 to vector<16xi32>
    %add3A_739 = arith.addi %iota3A, %add3A_738 : vector<16xi32>
    tpu.vector_store_idx %arg5[%add3A_739, %get3A_736], %broadcast_in_dim3A_6 : memref<128x512xf32, #tpu.memory_space<vmem>>[vector<16xi32>, vector<16xi32>], vector<16xf32>,
    %get3A_740 = arith.constant 1120 : index
    %get3A_741 = tpu.vector_load %arg4[%get3A_740] {strides = array<i32>} : memref<1152xi32, #tpu.memory_space<vmem>>, vector<16xi32>,
    %add3A_742 = arith.constant 96 : i32
    %add3A_743 = vector.broadcast %add3A_742 : i32 to vector<16xi32>
    %add3A_744 = arith.addi %iota3A, %add3A_743 : vector<16xi32>
    tpu.vector_store_idx %arg5[%add3A_744, %get3A_741], %broadcast_in_dim3A_6 : memref<128x512xf32, #tpu.memory_space<vmem>>[vector<16xi32>, vector<16xi32>], vector<16xf32>,
    %get3A_745 = arith.constant 1136 : index
    %get3A_746 = tpu.vector_load %arg4[%get3A_745] {strides = array<i32>} : memref<1152xi32, #tpu.memory_space<vmem>>, vector<16xi32>,
    %add3A_747 = arith.constant 112 : i32
    %add3A_748 = vector.broadcast %add3A_747 : i32 to vector<16xi32>
    %add3A_749 = arith.addi %iota3A, %add3A_748 : vector<16xi32>
    tpu.vector_store_idx %arg5[%add3A_749, %get3A_746], %broadcast_in_dim3A_6 : memref<128x512xf32, #tpu.memory_space<vmem>>[vector<16xi32>, vector<16xi32>], vector<16xf32>,
    return
  }
}

module attributes {stable_mosaic.version = 14 : i64} {
  func.func @_argmin_body(%arg0: i32, %arg1: memref<9216x32xf32, #tpu.memory_space<vmem>>, %arg2: memref<512x32xf32, #tpu.memory_space<vmem>>, %arg3: memref<9216xi32, #tpu.memory_space<vmem>>) attributes {dimension_semantics = [#tpu.dimension_semantics<arbitrary>], iteration_bounds = array<i64: 4>, scalar_prefetch = 0 : i64, scratch_operands = 0 : i64, tpu.core_type = #tpu.core_type<tc>, window_params = [{transform_indices = @transform_0, window_bounds = array<i64: 9216, 32>}, {pipeline_mode = #tpu.pipeline_mode<synchronous>, transform_indices = @transform_1, window_bounds = array<i64: 512, 32>}, {transform_indices = @transform_2, window_bounds = array<i64: 9216>}]} {
    %get3A = arith.constant 0 : index
    %get3A_0 = arith.constant 0 : index
    %get3A_1 = vector.load %arg1[%get3A, %get3A_0] : memref<9216x32xf32, #tpu.memory_space<vmem>>, vector<9216x32xf32>
    %get3A_2 = arith.constant 0 : index
    %get3A_3 = arith.constant 0 : index
    %get3A_4 = vector.load %arg2[%get3A_2, %get3A_3] : memref<512x32xf32, #tpu.memory_space<vmem>>, vector<512x32xf32>
    %mul3A = arith.constant -2.000000e+00 : f32
    %mul3A_5 = vector.broadcast %mul3A : f32 to vector<512x32xf32>
    %mul3A_6 = arith.mulf %mul3A_5, %get3A_4 : vector<512x32xf32>
    %mul3A_7 = arith.mulf %get3A_4, %get3A_4 : vector<512x32xf32>
    %reduce_sum3A = arith.constant dense<0.000000e+00> : vector<512xf32>
    %reduce_sum3A_8 = vector.multi_reduction <add>, %mul3A_7, %reduce_sum3A [1] : vector<512x32xf32> to vector<512xf32>
    %broadcast_in_dim3A = vector.shape_cast %reduce_sum3A_8 : vector<512xf32> to vector<512x1xf32>
    %dot_general3A = arith.constant dense<0.000000e+00> : vector<512x9216xf32>
    %dot_general3A_9 = tpu.matmul %mul3A_6, %get3A_1, %dot_general3A {dimension_numbers = #tpu.dot_dimension_numbers<[1], [1], [0], [0], [0, 0, 1, 0], [], []>, transpose_lhs_hint = false} : vector<512x32xf32>, vector<9216x32xf32>, vector<512x9216xf32> -> vector<512x9216xf32>
    %add3A = vector.broadcast %broadcast_in_dim3A : vector<512x1xf32> to vector<512x9216xf32>
    %add3A_10 = arith.addf %dot_general3A_9, %add3A : vector<512x9216xf32>
    %reduce_min3A = arith.constant dense<0x7F800000> : vector<9216xf32>
    %reduce_min3A_11 = vector.multi_reduction <minimumf>, %add3A_10, %reduce_min3A [0] : vector<512x9216xf32> to vector<9216xf32>
    %broadcast_in_dim3A_12 = vector.shape_cast %reduce_min3A_11 : vector<9216xf32> to vector<1x9216xf32>
    %iota3A = tpu.iota {dimensions = array<i32: 0>} : vector<512x9216xi32>
    %eq3A = vector.broadcast %broadcast_in_dim3A_12 : vector<1x9216xf32> to vector<512x9216xf32>
    %eq3A_13 = arith.cmpf oeq, %add3A_10, %eq3A : vector<512x9216xf32>
    %jit3A = arith.constant 512 : i32
    %broadcast_in_dim3A_14 = vector.broadcast %jit3A : i32 to vector<512x9216xi32>
    %select_n3A = arith.select %eq3A_13, %iota3A, %broadcast_in_dim3A_14 : vector<512x9216xi1>, vector<512x9216xi32>
    %reduce_min3A_15 = arith.constant dense<2147483647> : vector<9216xi32>
    %reduce_min3A_16 = vector.multi_reduction <minsi>, %select_n3A, %reduce_min3A_15 [0] : vector<512x9216xi32> to vector<9216xi32>
    %swap3A = arith.constant 0 : index
    %swap3A_17 = vector.load %arg3[%swap3A] : memref<9216xi32, #tpu.memory_space<vmem>>, vector<9216xi32>
    tpu.vector_store %arg3[%swap3A], %reduce_min3A_16 {strides = array<i32>} : memref<9216xi32, #tpu.memory_space<vmem>>, vector<9216xi32>,
    return
  }
  func.func @transform_0(%arg0: i32) -> (i32, i32) {
    %c0_i32 = arith.constant 0 : i32
    %c0_i32_0 = arith.constant 0 : i32
    return %arg0, %c0_i32 : i32, i32
  }
  func.func @transform_1(%arg0: i32) -> (i32, i32) {
    %c0_i32 = arith.constant 0 : i32
    %c0_i32_0 = arith.constant 0 : i32
    %c0_i32_1 = arith.constant 0 : i32
    return %c0_i32, %c0_i32_0 : i32, i32
  }
  func.func @transform_2(%arg0: i32) -> i32 {
    %c0_i32 = arith.constant 0 : i32
    return %arg0 : i32
  }
}

</mosaic_0001>

<sc_bundles>
// kernel: kernel.4.cloned.1.call-start
scs
__scs_entry_jumppad:
0x0: {  	(pc) =	sbr.rel $0x88, $3  }
0x1: {  	(tag) =	ssettag $0x0;
	lr =	simm.s32 $0x1  }
0x2: {  	[smem:$0x3F9F] =	sst lr;
	_ =	strace $0xD0000000  }
0x3: {  	_ = 	snop  }
0x4: {  	_ = 	snop  }
0x5: {  	_ = 	snop  }
0x6: {  	_ = 	snop  }
0x7: {  	_ = 	snop  }
__scs_overlays_trampoline_lowered:
0x8: {  	[smem:$0x3FAE] =	sst s0  }
0x9: {  	[smem:$0x3FAF] =	sst s1  }
0xa: {  	[smem:$0x3FB0] =	sst s2  }
0xb: {  	[smem:$0x3FB1] =	sst s3  }
0xc: {  	[smem:$0x3FB2] =	sst s4  }
0xd: {  	[smem:$0x3FB3] =	sst s5  }
0xe: {  	[smem:$0x3FB4] =	sst s6  }
0xf: {  	[smem:$0x3FB5] =	sst s7  }
0x10: {  	[smem:$0x3FB6] =	sst s8  }
0x11: {  	[smem:$0x3FB7] =	sst s9;
	s0 =	simm.s32 @!p0 $0x0  }
0x12: {  	s1 =	sld [smem:$0x3F9D];
	s0 =	simm.s32 @p0 $0x1  }
0x13: {  	[smem:$0x3FB8] =	sst s0;
	s0 =	simm.s32 @!p1 $0x0  }
0x14: {  	s2 =	sld [smem:$0x3F9C];
	s0 =	simm.s32 @p1 $0x1  }
0x15: {  	[smem:$0x3FB9] =	sst s0;
	s0 =	simm.s32 @!p2 $0x0  }
0x16: {  	s3 =	sld [smem:$0x3FDB];
	s0 =	simm.s32 @p2 $0x1  }
0x17: {  	s4 =	simm.s32 $0x1BF5;
	[smem:$0x3FBB] =	sst s0  }
0x18: {  	s0 =	sld [smem:$0x3F9E];
	_ =	swait.ge [sflag:s4], $0x0  }
0x19: {  	s7 =	sld [smem:$0x3F9F]  }
0x1a: {  	s8 =	sadd.s32 $0xFFFFE003, lr  }
0x1b: {  	s9 =	sadd.s32 $0xFFFFFEF7, lr;
	s5 =	simm.s32 $0xFFFFFFFF;
	p2 =	slt.u32 s8, $0xFFFFF086  }
0x1c: {  	p1 =	slt.u32 s9, $0xF7A;
	s5 =	simm.s32 @!p2 $0x0  }
0x1d: {  	s5 =	simm.s32 @p1 $0x1;
	p0 =	seq.s32 s7, s2  }
0x1e: {  	s7 =	smul.u32 @!p0 $0xF7A, s2;
	p2 =	seq.s32 @!p0 s5, $0x0  }
0x1f: {  	s9 =	smul.u32 $0xF7A, s1;
	s8 =	simm.s32 @!p0 $0x1BF5;
	p2 =	por !p2, p0  }
0x20: {  	[sflag:s8] =	ssyncset.s32 @!p0 $0xFFFFF086;
	s6 =	sadd.s32 @!p0 s3, s7;
	s7 =	simm.s32 @!p0 $0x108  }
0x21: {  	s3 =	sadd.s32 s3, s9;
	s6 =	sadd.s32 @!p0 $0x88, s6;
	s7 =	simm.s32 @p2 $0x1082  }
0x22: {  	[simem:s7], [sflag:s8] =	dma.local @!p0 [hbm:s6], $0xF7A  }
0x23: {  	s9 =	sor.u32 $0xD0000000, s2;
	s6 =	simm.s32 $0x108;
	_ =	swait.ge @!p0 [sflag:s8], $0x0  }
0x24: {  	s3 =	sadd.s32 $0x88, s3;
	s6 =	simm.s32 @!p1 $0x1082;
	[sflag:s4] =	ssyncset.s32 $0xFFFFF086  }
0x25: {  	[simem:s6], [sflag:s4] =	dma.local [hbm:s3], $0xF7A  }
0x26: {  	[smem:$0x3F9F] =	sst s1;
	(tag) =	ssettag s2;
	_ =	strace s9  }
0x27: {  	s1 =	sld [smem:$0x3FAF]  }
0x28: {  	s2 =	sld [smem:$0x3FB0]  }
0x29: {  	s4 =	sld [smem:$0x3FB2]  }
0x2a: {  	p0 =	seq.s32 s5, $0x0;
	s5 =	sld [smem:$0x3FB3]  }
0x2b: {  	s6 =	sld [smem:$0x3FB4]  }
0x2c: {  	s7 =	sld [smem:$0x3FB5]  }
0x2d: {  	s3 =	simm.s32 $0x108;
	s8 =	sld [smem:$0x3FB6]  }
0x2e: {  	s3 =	simm.s32 @!p0 $0x1082;
	s9 =	sld [smem:$0x3FB7]  }
0x2f: {  	lr =	sadd.s32 s0, s3;
	s0 =	sld [smem:$0x3FAE]  }
0x30: {  	s3 =	sld [smem:$0x3FB1]  }
0x31: {  	[smem:$0x3FBA] =	sst s10  }
0x32: {  	s10 =	sld [smem:$0x3FB8];
	_ =	sdelay $0x3  }
0x33: {  	p0 =	seq.s32 s10, $0x1;
	s10 =	sld [smem:$0x3FBA];
	_ =	sdelay $0x3  }
0x34: {  	[smem:$0x3FBA] =	sst s10  }
0x35: {  	s10 =	sld [smem:$0x3FB9];
	_ =	sdelay $0x3  }
0x36: {  	p1 =	seq.s32 s10, $0x1;
	s10 =	sld [smem:$0x3FBA];
	_ =	sdelay $0x3  }
0x37: {  	[smem:$0x3FBA] =	sst s10  }
0x38: {  	s10 =	sld [smem:$0x3FBB]  }
0x39: {  	_ = 	snop;
	(pc) =	sbr.ind lr, $3  }
0x3a: {  	_ = 	snop  }
0x3b: {  	_ = 	snop  }
0x3c: {  	p2 =	seq.s32 s10, $0x1;
	s10 =	sld [smem:$0x3FBA]  }
0x3d: {  	_ =	shalt  }
0x3e: {  	_ =	shalt  }
0x3f: {  	_ =	shalt  }
0x40: {  	_ =	shalt  }
0x41: {  	_ =	shalt  }
0x42: {  	_ =	shalt  }
0x43: {  	_ =	shalt  }
0x44: {  	_ =	shalt  }
0x45: {  	_ =	shalt  }
0x46: {  	_ =	shalt  }
0x47: {  	_ =	shalt  }
0x48: {  	_ =	shalt  }
0x49: {  	_ =	shalt  }
0x4a: {  	_ =	shalt  }
0x4b: {  	_ =	shalt  }
0x4c: {  	_ =	shalt  }
0x4d: {  	_ =	shalt  }
0x4e: {  	_ =	shalt  }
0x4f: {  	_ =	shalt  }
0x50: {  	_ =	shalt  }
0x51: {  	_ =	shalt  }
0x52: {  	_ =	shalt  }
0x53: {  	_ =	shalt  }
0x54: {  	_ =	shalt  }
0x55: {  	_ =	shalt  }
0x56: {  	_ =	shalt  }
0x57: {  	_ =	shalt  }
0x58: {  	_ =	shalt  }
0x59: {  	_ =	shalt  }
0x5a: {  	_ =	shalt  }
0x5b: {  	_ =	shalt  }
0x5c: {  	_ =	shalt  }
0x5d: {  	_ =	shalt  }
0x5e: {  	_ =	shalt  }
0x5f: {  	_ =	shalt  }
0x60: {  	_ =	shalt  }
0x61: {  	_ =	shalt  }
0x62: {  	_ =	shalt  }
0x63: {  	_ =	shalt  }
0x64: {  	_ =	shalt  }
0x65: {  	_ =	shalt  }
0x66: {  	_ =	shalt  }
0x67: {  	_ =	shalt  }
0x68: {  	_ =	shalt  }
0x69: {  	_ =	shalt  }
0x6a: {  	_ =	shalt  }
0x6b: {  	_ =	shalt  }
0x6c: {  	_ =	shalt  }
0x6d: {  	_ =	shalt  }
0x6e: {  	_ =	shalt  }
0x6f: {  	_ =	shalt  }
0x70: {  	_ =	shalt  }
0x71: {  	_ =	shalt  }
0x72: {  	_ =	shalt  }
0x73: {  	_ =	shalt  }
0x74: {  	_ =	shalt  }
0x75: {  	_ =	shalt  }
0x76: {  	_ =	shalt  }
0x77: {  	_ =	shalt  }
0x78: {  	_ =	shalt  }
0x79: {  	_ =	shalt  }
0x7a: {  	_ =	shalt  }
0x7b: {  	_ =	shalt  }
0x7c: {  	_ =	shalt  }
0x7d: {  	_ =	shalt  }
0x7e: {  	_ =	shalt  }
0x7f: {  	_ =	shalt  }
0x80: {  	_ =	shalt  }
0x81: {  	_ =	shalt  }
0x82: {  	_ =	shalt  }
0x83: {  	_ =	shalt  }
0x84: {  	_ =	shalt  }
0x85: {  	_ =	shalt  }
0x86: {  	_ =	shalt  }
0x87: {  	_ =	shalt  }
.Lfunc_end0:
.L_simem_size_0:
called_computation_lowered:
.L_overlay_start_0:
0x88: {  	s2 =	sld [smem:$0x3FD9]  }
0x89: {  	s3 =	sld [smem:$0x3FFE];
	_ =	sdelay $0x1  }
0x8a: {  	s1 =	srdreg.scid  }
0x8b: {  	s0 =	sand.u32 $0x1, s1  }
0x8c: {  	s17 =	sshll.u32 s0, $0xA;
	s2 =	sadd.s32 s3, s2  }
0x8d: {  	s2 =	sadd.s32 s2, s17  }
0x8e: {  	[smem:$0x3FC6] =	sst s2  }
0x8f: {  	_ = 	snop  }
0x90: {  	s2 =	sld [smem:$0x3FD0];
	(tm) =	ssettm $0x1  }
0x91: {  	s18 =	sld [smem:$0x3FFB];
	_ =	sdelay $0x3  }
0x92: {  	_ =	strace s18  }
0x93: {  	s3 =	sld [smem:$0x3FFC];
	_ =	sdelay $0x3  }
0x94: {  	_ =	strace s3  }
0x95: {  	s3 =	sld [smem:$0x3FFD];
	_ =	sdelay $0x3  }
0x96: {  	_ =	strace s3  }
0x97: {  	_ =	strace $0x8FFFFFFF  }
0x98: {  	s19 =	sld [smem:$0x3FDB];
	_ =	sdelay $0x1  }
0x99: {  	s4 =	simm.s32 $_scs_section_size  }
0x9a: {  	s5 =	simm.s32 $_size__tile_overlayer_lowered;
	s6 =	simm.s32 $_tile_overlayer_lowered  }
0x9b: {  	s22 =	simm.s32 $0x1BFF;
	s21 =	sshll.u32 s6, $0x1;
	s3 =	sadd.s32 s4, s19  }
0x9c: {  	s7 =	simm.s32 $0x0;
	s20 =	sshll.u32 s5, $0x1;
	s5 =	sadd.s32 s21, s3  }
0x9d: {  	[timem:s7], [sflag:s22] =	dma.local [hbm:s5], s20  }
0x9e: {  	_ =	swait.ge [sflag:s22], s20  }
0x9f: {  	s4 =	ssub.s32 $0x0, s20;
	[sflag:s22] =	ssyncset.done $0x0  }
0xa0: {  	[sflag:s22] =	ssyncadd.s32 s4;
	_ =	sdelay $0x1  }
0xa1: {  	s23 =	simm.s32 $0x1B8B  }
0xa2: {  	_ =	swait.ge [sflag:s23], $0x1  }
0xa3: {  	[sflag:s23] =	ssyncset.done $0x0  }
0xa4: {  	s25 =	simm.s32 $0x1B8E;
	s24 =	sld [smem:$0x3FFE];
	[sflag:s23] =	ssyncadd.s32 $0xFFFFFFFF  }
0xa5: {  	s26 =	simm.s32 $execute0_lowered;
	[smem:$0x3FD2] =	sst s25  }
0xa6: {  	s5 =	sshll.u32 s26, $0x1;
	_ =	strace $0x80000046;
	[dreg:$0x1] =	wrdreg $0xFFFFFFFF  }
0xa7: {  	s28 =	simm.s32 $_size_execute0_lowered;
	s3 =	sadd.s32 s3, s5;
	[dreg:$0x0] =	wrdreg $0x0  }
0xa8: {  	s5 =	sshll.u32 s28, $0x1;
	[dreg:$0x2] =	wrdreg s3  }
0xa9: {  	[dreg:$0x3] =	wrdreg s5  }
0xaa: {  	[dreg:$0x4] =	wrdreg $0xC0  }
0xab: {  	_ =	task [dreg:s7], $0x5FFFF  }
0xac: {  	[dreg:$0x1] =	wrdreg $0xFFFFFFFF  }
0xad: {  	[dreg:$0x0] =	wrdreg $0x60  }
0xae: {  	[dreg:$0x2] =	wrdreg s24  }
0xaf: {  	[dreg:$0x3] =	wrdreg s2  }
0xb0: {  	[dreg:$0x4] =	wrdreg $0x9  }
0xb1: {  	_ =	task.clear_ibuf [dreg:s7], $0x5FFFF;
	_ =	strace $0x90000046  }
0xb2: {  	s29 =	simm.s32 $0x9;
	_ =	strace $0x80000048  }
0xb3: {  	_ =	swait.ge [sflag:s29], $0x1  }
0xb4: {  	[sflag:s29] =	ssyncadd.s32 $0xFFFFFFFF  }
0xb5: {  	_ =	strace $0x90000048  }
0xb6: {  	_ =	sfence  }
0xb7: {  	s30 =	sld [smem:$0x0];
	_ =	sdelay $0x2  }
0xb8: {  	s31 =	sshll.u32 s1, $0xD;
	s1 =	sshrl.u32 s1, $0x2  }
0xb9: {  	s3 =	sand.u32 $0x4000, s31;
	s1 =	sadd.s32 s1, s30  }
0xba: {  	s0 =	sor.u32 s3, s0;
	s1 =	sshll.u32 s1, $0x11  }
0xbb: {  	s0 =	sor.u32 s1, s0  }
0xbc: {  	s0 =	sadd.s32 $0x8F2B, s0  }
0xbd: {  	[sflag:s0] =	ssyncadd.remote.s32 $0x1  }
0xbe: {  	_ =	sfence.sel $0xFFFF  }
0xbf: {  	[dreg:$0x0] =	wrdreg $0xFFFFFFFF;
	(pc) =	sbr.abs _section_cstart, $3  }
0xc0: {  	[dreg:$0x1] =	wrdreg $0xFFFFFFFF  }
0xc1: {  	_ =	task.clear_ibuf [dreg:s7], $0x2FFFF;
	_ =	strace $0x9FFFFFFF  }
0xc2: {  	(tm) =	ssettm $0x7FFFFFFF  }
0xc3: {  	_ =	shalt  }
tec
execute0_lowered:
.L_overlay_start_1:
0x0: {  	(tag) =	ssettag $0x1  }
0x1: {  	v0 =	vimm.f32 $0.0e+00  }
0x2: {  	v1 =	vimm.s32 $0x1380;
	vm13 =	vcmask $0x300;
	v2 =	vimm.s32 $0x3380  }
0x3: {  	vm14 =	vcmask $0x704;
	vm12 =	vcmask $0xB08;
	vm11 =	vcmask $0xF0C  }
0x4: {  	vm10 =	vcmask $0x1310;
	vm9 =	vcmask $0x1714;
	vm8 =	vcmask $0x1B18  }
0x5: {  	vm7 =	vcmask $0x1F1C;
	vm6 =	vcmask $0x2320;
	vm5 =	vcmask $0x2724  }
0x6: {  	vm4 =	vcmask $0x2B28;
	vm3 =	vcmask $0x2F2C;
	vm2 =	vcmask $0x3330  }
0x7: {  	vm1 =	vcmask $0x3734;
	vm0 =	vcmask $0x3B38;
	v4 =	vimm.s32 $0x5380  }
0x8: {  	v5 =	vimm.s32 $0x7380;
	v6 =	vimm.s32 $0x9380;
	v7 =	vimm.s32 $0xB380  }
0x9: {  	v8 =	vimm.s32 $0xD380;
	v9 =	vimm.s32 $0xF380;
	v1 =	vsel vm13, $0x0, v1  }
0xa: {  	v2 =	vsel vm13, $0x2000, v2;
	v4 =	vsel vm13, $0x4000, v4;
	v5 =	vsel vm13, $0x6000, v5  }
0xb: {  	v6 =	vsel vm13, $0x8000, v6;
	v7 =	vsel vm13, $0xA000, v7;
	v8 =	vsel vm13, $0xC000, v8  }
0xc: {  	v9 =	vsel vm13, $0xE000, v9;
	v1 =	vsel vm14, $0x80, v1;
	v2 =	vsel vm14, $0x2080, v2  }
0xd: {  	v4 =	vsel vm14, $0x4080, v4;
	v5 =	vsel vm14, $0x6080, v5;
	v6 =	vsel vm14, $0x8080, v6  }
0xe: {  	v7 =	vsel vm14, $0xA080, v7;
	v8 =	vsel vm14, $0xC080, v8;
	v9 =	vsel vm14, $0xE080, v9  }
0xf: {  	v1 =	vsel vm12, $0x100, v1;
	v2 =	vsel vm12, $0x2100, v2;
	v4 =	vsel vm12, $0x4100, v4  }
0x10: {  	v5 =	vsel vm12, $0x6100, v5;
	v6 =	vsel vm12, $0x8100, v6;
	v7 =	vsel vm12, $0xA100, v7  }
0x11: {  	v8 =	vsel vm12, $0xC100, v8;
	v9 =	vsel vm12, $0xE100, v9;
	v1 =	vsel vm11, $0x180, v1  }
0x12: {  	v2 =	vsel vm11, $0x2180, v2;
	v4 =	vsel vm11, $0x4180, v4;
	v5 =	vsel vm11, $0x6180, v5  }
0x13: {  	v6 =	vsel vm11, $0x8180, v6;
	v7 =	vsel vm11, $0xA180, v7;
	v8 =	vsel vm11, $0xC180, v8  }
0x14: {  	v9 =	vsel vm11, $0xE180, v9;
	v1 =	vsel vm10, $0x200, v1;
	v2 =	vsel vm10, $0x2200, v2  }
0x15: {  	v4 =	vsel vm10, $0x4200, v4;
	v5 =	vsel vm10, $0x6200, v5;
	v6 =	vsel vm10, $0x8200, v6  }
0x16: {  	v7 =	vsel vm10, $0xA200, v7;
	v8 =	vsel vm10, $0xC200, v8;
	v9 =	vsel vm10, $0xE200, v9  }
0x17: {  	v1 =	vsel vm9, $0x280, v1;
	v2 =	vsel vm9, $0x2280, v2;
	v4 =	vsel vm9, $0x4280, v4  }
0x18: {  	v5 =	vsel vm9, $0x6280, v5;
	v6 =	vsel vm9, $0x8280, v6;
	v7 =	vsel vm9, $0xA280, v7  }
0x19: {  	v8 =	vsel vm9, $0xC280, v8;
	v9 =	vsel vm9, $0xE280, v9;
	v1 =	vsel vm8, $0x300, v1  }
0x1a: {  	v2 =	vsel vm8, $0x2300, v2;
	v4 =	vsel vm8, $0x4300, v4;
	v5 =	vsel vm8, $0x6300, v5  }
0x1b: {  	v6 =	vsel vm8, $0x8300, v6;
	v7 =	vsel vm8, $0xA300, v7;
	v8 =	vsel vm8, $0xC300, v8  }
0x1c: {  	v9 =	vsel vm8, $0xE300, v9;
	v1 =	vsel vm7, $0x380, v1;
	v2 =	vsel vm7, $0x2380, v2  }
0x1d: {  	v4 =	vsel vm7, $0x4380, v4;
	v5 =	vsel vm7, $0x6380, v5;
	v6 =	vsel vm7, $0x8380, v6  }
0x1e: {  	v7 =	vsel vm7, $0xA380, v7;
	v8 =	vsel vm7, $0xC380, v8;
	v9 =	vsel vm7, $0xE380, v9  }
0x1f: {  	v1 =	vsel vm6, $0x1000, v1;
	v2 =	vsel vm6, $0x3000, v2;
	v4 =	vsel vm6, $0x5000, v4  }
0x20: {  	v5 =	vsel vm6, $0x7000, v5;
	v6 =	vsel vm6, $0x9000, v6;
	v7 =	vsel vm6, $0xB000, v7  }
0x21: {  	v8 =	vsel vm6, $0xD000, v8;
	v9 =	vsel vm6, $0xF000, v9;
	v1 =	vsel vm5, $0x1080, v1  }
0x22: {  	v2 =	vsel vm5, $0x3080, v2;
	v4 =	vsel vm5, $0x5080, v4;
	v5 =	vsel vm5, $0x7080, v5  }
0x23: {  	v6 =	vsel vm5, $0x9080, v6;
	v7 =	vsel vm5, $0xB080, v7;
	v8 =	vsel vm5, $0xD080, v8  }
0x24: {  	v9 =	vsel vm5, $0xF080, v9;
	v1 =	vsel vm4, $0x1100, v1;
	v2 =	vsel vm4, $0x3100, v2  }
0x25: {  	v4 =	vsel vm4, $0x5100, v4;
	v5 =	vsel vm4, $0x7100, v5;
	v6 =	vsel vm4, $0x9100, v6  }
0x26: {  	s3 =	rddreg [dreg:$0x0];
	s1 =	srdreg.scid;
	v7 =	vsel vm4, $0xB100, v7;
	v8 =	vsel vm4, $0xD100, v8;
	v9 =	vsel vm4, $0xF100, v9  }
0x27: {  	s0 =	stileid.u32;
	s4 =	rddreg [dreg:$0x1];
	s2 =	simm.s32 $0x0;
	v1 =	vsel vm3, $0x1180, v1;
	v2 =	vsel vm3, $0x3180, v2;
	v4 =	vsel vm3, $0x5180, v4  }
0x28: {  	s14 =	simm.s32 $0x1;
	s5 =	sand.u32 $0x1, s1;
	s6 =	sshll.u32 s0, $0x1;
	v5 =	vsel vm3, $0x7180, v5;
	v6 =	vsel vm3, $0x9180, v6;
	v7 =	vsel vm3, $0xB180, v7  }
0x29: {  	s15 =	simm.s32 $0x480;
	s16 =	simm.s32 $0x2;
	s6 =	sor.u32 s5, s6;
	v8 =	vsel vm3, $0xD180, v8;
	v9 =	vsel vm3, $0xF180, v9;
	v1 =	vsel vm2, $0x1200, v1  }
0x2a: {  	s17 =	simm.s32 $0x0;
	s1 =	rddreg [dreg:$0x2];
	s7 =	smul.u32 $0x90000, s6;
	v2 =	vsel vm2, $0x3200, v2;
	v4 =	vsel vm2, $0x5200, v4;
	v5 =	vsel vm2, $0x7200, v5  }
0x2b: {  	[smem:$0x7FF] =	sst s2;
	s5 =	ssub.s32 $0x2, s5;
	s8 =	smul.u32 $0x90, s6;
	v6 =	vsel vm2, $0x9200, v6;
	v7 =	vsel vm2, $0xB200, v7;
	v8 =	vsel vm2, $0xD200, v8  }
0x2c: {  	_ =	strace $0x80000047;
	s9 =	sshrl.u32 s5, $0x1;
	s6 =	smul.u32 $0x12000, s6;
	v9 =	vsel vm2, $0xF200, v9;
	v1 =	vsel vm1, $0x1280, v1;
	v3 =	vsel vm1, $0x3280, v2  }
0x2d: {  	s13 =	ssub.s32 s5, s9;
	s7 =	sshrl.u32 s7, $0x3;
	s3 =	sadd.s32 s8, s3;
	v2 =	vimm.f32 $1.000000000e+00;
	v4 =	vsel vm1, $0x5280, v4;
	v5 =	vsel vm1, $0x7280, v5  }
0x2e: {  	s13 =	smax.u32 s13, $0x1;
	s12 =	sadd.s32 s4, s7;
	s3 =	sadd.s32 $0x600, s3;
	v6 =	vsel vm1, $0x9280, v6;
	v7 =	vsel vm1, $0xB280, v7;
	v8 =	vsel vm1, $0xD280, v8  }
0x2f: {  	s4 =	sadd.s32 s4, s6;
	s5 =	sadd.s32 $0x2000, s12;
	s6 =	sadd.s32 $0x4000, s12;
	v9 =	vsel vm1, $0xF280, v9;
	v1 =	vsel vm0, $0x1300, v1;
	v3 =	vsel vm0, $0x3300, v3  }
0x30: {  	s7 =	sadd.s32 $0x6000, s12;
	s8 =	sadd.s32 $0x8000, s12;
	s9 =	sadd.s32 $0xA000, s12;
	v4 =	vsel vm0, $0x5300, v4;
	v5 =	vsel vm0, $0x7300, v5;
	v6 =	vsel vm0, $0x9300, v6  }
0x31: {  	s10 =	sadd.s32 $0xC000, s12;
	s11 =	sadd.s32 $0xE000, s12;
	s12 =	sadd.s32 $0x10000, s12;
	v7 =	vsel vm0, $0xB300, v7;
	v8 =	vsel vm0, $0xD300, v8;
	v9 =	vsel vm0, $0xF300, v9  }
.LBB2_1:
0x32: {  	[tilespmem:s2], [sflag:$0x1] =	stream.linear.gather [hbm4b:s3+s2], $0x480, $0x38;
	[tilespmem:$0x10480] =	vst v63  }
0x33: {  	s18 =	sand.u32 $0xF000, s2;
	s19 =	sand.u32 $0x380, s2  }
0x34: {  	s18 =	sor.u32 s19, s18  }
0x35: {  	[tilespmem:s18+$0x10F0] =	vst v0  }
0x36: {  	[tilespmem:s18+$0x480] =	vst v0  }
0x37: {  	[tilespmem:s18+$0x490] =	vst v0  }
0x38: {  	[tilespmem:s18+$0x4A0] =	vst v0  }
0x39: {  	[tilespmem:s18+$0x4B0] =	vst v0  }
0x3a: {  	[tilespmem:s18+$0x4C0] =	vst v0  }
0x3b: {  	[tilespmem:s18+$0x4D0] =	vst v0  }
0x3c: {  	[tilespmem:s18+$0x4E0] =	vst v0  }
0x3d: {  	[tilespmem:s18+$0x4F0] =	vst v0  }
0x3e: {  	[tilespmem:s18+$0x880] =	vst v0  }
0x3f: {  	[tilespmem:s18+$0x890] =	vst v0  }
0x40: {  	[tilespmem:s18+$0x8A0] =	vst v0  }
0x41: {  	[tilespmem:s18+$0x8B0] =	vst v0  }
0x42: {  	[tilespmem:s18+$0x8C0] =	vst v0  }
0x43: {  	[tilespmem:s18+$0x8D0] =	vst v0  }
0x44: {  	[tilespmem:s18+$0x8E0] =	vst v0  }
0x45: {  	[tilespmem:s18+$0x8F0] =	vst v0  }
0x46: {  	[tilespmem:s18+$0xC80] =	vst v0  }
0x47: {  	[tilespmem:s18+$0xC90] =	vst v0  }
0x48: {  	[tilespmem:s18+$0xCA0] =	vst v0  }
0x49: {  	[tilespmem:s18+$0xCB0] =	vst v0  }
0x4a: {  	[tilespmem:s18+$0xCC0] =	vst v0  }
0x4b: {  	[tilespmem:s18+$0xCD0] =	vst v0  }
0x4c: {  	[tilespmem:s18+$0xCE0] =	vst v0  }
0x4d: {  	[tilespmem:s18+$0xCF0] =	vst v0  }
0x4e: {  	[tilespmem:s18+$0x1080] =	vst v0  }
0x4f: {  	[tilespmem:s18+$0x1090] =	vst v0  }
0x50: {  	[tilespmem:s18+$0x10A0] =	vst v0  }
0x51: {  	[tilespmem:s18+$0x10B0] =	vst v0  }
0x52: {  	s20 =	simm.s32 $0x200;
	s19 =	simm.s32 $0x80;
	[tilespmem:s18+$0x10C0] =	vst v0  }
0x53: {  	s21 =	sand.u32 $0xF000, s20;
	s20 =	simm.s32 $0x400;
	s22 =	sand.u32 $0x380, s19;
	[tilespmem:s18+$0x10D0] =	vst v0  }
.LBB2_2:
0x54: {  	p0 =	sne.s32 s20, $0xFE00;
	[tilespmem:s18+$0x10E0] =	vst v0;
	s18 =	sor.u32 s22, s21  }
0x55: {  	[tilespmem:s18+$0x10F0] =	vst v0  }
0x56: {  	[tilespmem:s18+$0x480] =	vst v0  }
0x57: {  	[tilespmem:s18+$0x490] =	vst v0  }
0x58: {  	[tilespmem:s18+$0x4A0] =	vst v0  }
0x59: {  	[tilespmem:s18+$0x4B0] =	vst v0  }
0x5a: {  	[tilespmem:s18+$0x4C0] =	vst v0  }
0x5b: {  	[tilespmem:s18+$0x4D0] =	vst v0  }
0x5c: {  	[tilespmem:s18+$0x4E0] =	vst v0  }
0x5d: {  	[tilespmem:s18+$0x4F0] =	vst v0  }
0x5e: {  	[tilespmem:s18+$0x880] =	vst v0  }
0x5f: {  	[tilespmem:s18+$0x890] =	vst v0  }
0x60: {  	[tilespmem:s18+$0x8A0] =	vst v0  }
0x61: {  	[tilespmem:s18+$0x8B0] =	vst v0  }
0x62: {  	[tilespmem:s18+$0x8C0] =	vst v0  }
0x63: {  	[tilespmem:s18+$0x8D0] =	vst v0  }
0x64: {  	[tilespmem:s18+$0x8E0] =	vst v0  }
0x65: {  	[tilespmem:s18+$0x8F0] =	vst v0  }
0x66: {  	[tilespmem:s18+$0xC80] =	vst v0  }
0x67: {  	[tilespmem:s18+$0xC90] =	vst v0  }
0x68: {  	[tilespmem:s18+$0xCA0] =	vst v0  }
0x69: {  	[tilespmem:s18+$0xCB0] =	vst v0  }
0x6a: {  	[tilespmem:s18+$0xCC0] =	vst v0  }
0x6b: {  	[tilespmem:s18+$0xCD0] =	vst v0  }
0x6c: {  	[tilespmem:s18+$0xCE0] =	vst v0  }
0x6d: {  	[tilespmem:s18+$0xCF0] =	vst v0  }
0x6e: {  	[tilespmem:s18+$0x1080] =	vst v0  }
.Ltmp0:
0x6f: {  	[tilespmem:s18+$0x1090] =	vst v0;
	(pc) =	sbr.rel @p0 .LBB2_2-.Ltmp0, $4  }
0x70: {  	[tilespmem:s18+$0x10A0] =	vst v0  }
0x71: {  	[tilespmem:s18+$0x10B0] =	vst v0  }
0x72: {  	s19 =	sadd.s32 $0x80, s19;
	[tilespmem:s18+$0x10C0] =	vst v0  }
0x73: {  	s21 =	sand.u32 $0xF000, s20;
	s20 =	sadd.s32 $0x200, s20;
	s22 =	sand.u32 $0x380, s19;
	[tilespmem:s18+$0x10D0] =	vst v0  }
0x74: {  	s19 =	sor.u32 s22, s21;
	[tilespmem:s18+$0x10E0] =	vst v0  }
0x75: {  	[tilespmem:s19+$0x10F0] =	vst v0  }
0x76: {  	[tilespmem:s19+$0x480] =	vst v0  }
0x77: {  	[tilespmem:s19+$0x490] =	vst v0  }
0x78: {  	[tilespmem:s19+$0x4A0] =	vst v0  }
0x79: {  	[tilespmem:s19+$0x4B0] =	vst v0  }
0x7a: {  	[tilespmem:s19+$0x4C0] =	vst v0  }
0x7b: {  	[tilespmem:s19+$0x4D0] =	vst v0  }
0x7c: {  	[tilespmem:s19+$0x4E0] =	vst v0  }
0x7d: {  	[tilespmem:s19+$0x4F0] =	vst v0  }
0x7e: {  	[tilespmem:s19+$0x880] =	vst v0  }
0x7f: {  	[tilespmem:s19+$0x890] =	vst v0  }
0x80: {  	[tilespmem:s19+$0x8A0] =	vst v0  }
0x81: {  	[tilespmem:s19+$0x8B0] =	vst v0  }
0x82: {  	[tilespmem:s19+$0x8C0] =	vst v0  }
0x83: {  	[tilespmem:s19+$0x8D0] =	vst v0  }
0x84: {  	[tilespmem:s19+$0x8E0] =	vst v0  }
0x85: {  	[tilespmem:s19+$0x8F0] =	vst v0  }
0x86: {  	[tilespmem:s19+$0xC80] =	vst v0  }
0x87: {  	[tilespmem:s19+$0xC90] =	vst v0  }
0x88: {  	[tilespmem:s19+$0xCA0] =	vst v0  }
0x89: {  	[tilespmem:s19+$0xCB0] =	vst v0  }
0x8a: {  	[tilespmem:s19+$0xCC0] =	vst v0  }
0x8b: {  	[tilespmem:s19+$0xCD0] =	vst v0  }
0x8c: {  	[tilespmem:s19+$0xCE0] =	vst v0  }
0x8d: {  	[tilespmem:s19+$0xCF0] =	vst v0  }
0x8e: {  	[tilespmem:s19+$0x1080] =	vst v0  }
0x8f: {  	[tilespmem:s19+$0x1090] =	vst v0  }
0x90: {  	[tilespmem:s19+$0x10A0] =	vst v0  }
0x91: {  	[tilespmem:s19+$0x10B0] =	vst v0  }
0x92: {  	[tilespmem:s19+$0x10C0] =	vst v0  }
0x93: {  	[tilespmem:s19+$0x10D0] =	vst v0  }
0x94: {  	[tilespmem:s19+$0x10E0] =	vst v0  }
0x95: {  	_ =	swait.ge [sflag:s14], $0x480  }
0x96: {  	[sflag:s14] =	ssyncset.done $0x0  }
0x97: {  	[sflag:s14] =	ssyncadd.s32 $0xFFFFFB80  }
0x98: {  	v10 =	vld [tilespmem:$0x0];
	_ =	sdelay $0x4  }
0x99: {  	v11 =	vshll.u32 v10, $0x3  }
0x9a: {  	v10 =	vand.u32 $0x7F, v10;
	v11 =	vand.u32 $0xFFFFFC00, v11  }
0x9b: {  	v10 =	vor.u32 v10, v11  }
0x9c: {  	v10 =	vadd.s32 v1, v10;
	_ =	sdelay $0x4  }
0x9d: {  	[tilespmem:v10+s15+$0x0] =	vst.idx.msk $0xffff, v2  }
0x9e: {  	v10 =	vld [tilespmem:$0x10];
	_ =	sdelay $0x4  }
0x9f: {  	v11 =	vshll.u32 v10, $0x3  }
0xa0: {  	v10 =	vand.u32 $0x7F, v10;
	v11 =	vand.u32 $0xFFFFFC00, v11  }
0xa1: {  	v10 =	vor.u32 v10, v11  }
0xa2: {  	v10 =	vadd.s32 v3, v10;
	_ =	sdelay $0x4  }
0xa3: {  	[tilespmem:v10+s15+$0x0] =	vst.idx.msk $0xffff, v2  }
0xa4: {  	v10 =	vld [tilespmem:$0x20];
	_ =	sdelay $0x4  }
0xa5: {  	v11 =	vshll.u32 v10, $0x3  }
0xa6: {  	v10 =	vand.u32 $0x7F, v10;
	v11 =	vand.u32 $0xFFFFFC00, v11  }
0xa7: {  	v10 =	vor.u32 v10, v11  }
0xa8: {  	v10 =	vadd.s32 v4, v10;
	_ =	sdelay $0x4  }
0xa9: {  	[tilespmem:v10+s15+$0x0] =	vst.idx.msk $0xffff, v2  }
0xaa: {  	v10 =	vld [tilespmem:$0x30];
	_ =	sdelay $0x4  }
0xab: {  	v11 =	vshll.u32 v10, $0x3  }
0xac: {  	v10 =	vand.u32 $0x7F, v10;
	v11 =	vand.u32 $0xFFFFFC00, v11  }
0xad: {  	v10 =	vor.u32 v10, v11  }
0xae: {  	v10 =	vadd.s32 v5, v10;
	_ =	sdelay $0x4  }
0xaf: {  	[tilespmem:v10+s15+$0x0] =	vst.idx.msk $0xffff, v2  }
0xb0: {  	v10 =	vld [tilespmem:$0x40];
	_ =	sdelay $0x4  }
0xb1: {  	v11 =	vshll.u32 v10, $0x3  }
0xb2: {  	v10 =	vand.u32 $0x7F, v10;
	v11 =	vand.u32 $0xFFFFFC00, v11  }
0xb3: {  	v10 =	vor.u32 v10, v11  }
0xb4: {  	v10 =	vadd.s32 v6, v10;
	_ =	sdelay $0x4  }
0xb5: {  	[tilespmem:v10+s15+$0x0] =	vst.idx.msk $0xffff, v2  }
0xb6: {  	v10 =	vld [tilespmem:$0x50];
	_ =	sdelay $0x4  }
0xb7: {  	v11 =	vshll.u32 v10, $0x3  }
0xb8: {  	v10 =	vand.u32 $0x7F, v10;
	v11 =	vand.u32 $0xFFFFFC00, v11  }
0xb9: {  	v10 =	vor.u32 v10, v11  }
0xba: {  	v10 =	vadd.s32 v7, v10;
	_ =	sdelay $0x4  }
0xbb: {  	[tilespmem:v10+s15+$0x0] =	vst.idx.msk $0xffff, v2  }
0xbc: {  	v10 =	vld [tilespmem:$0x60];
	_ =	sdelay $0x4  }
0xbd: {  	v11 =	vshll.u32 v10, $0x3  }
0xbe: {  	v10 =	vand.u32 $0x7F, v10;
	v11 =	vand.u32 $0xFFFFFC00, v11  }
0xbf: {  	v10 =	vor.u32 v10, v11  }
0xc0: {  	v10 =	vadd.s32 v8, v10;
	_ =	sdelay $0x4  }
0xc1: {  	[tilespmem:v10+s15+$0x0] =	vst.idx.msk $0xffff, v2  }
0xc2: {  	v10 =	vld [tilespmem:$0x70];
	_ =	sdelay $0x4  }
0xc3: {  	v11 =	vshll.u32 v10, $0x3  }
0xc4: {  	v10 =	vand.u32 $0x7F, v10;
	v11 =	vand.u32 $0xFFFFFC00, v11  }
0xc5: {  	v10 =	vor.u32 v10, v11  }
0xc6: {  	v10 =	vadd.s32 v9, v10;
	_ =	sdelay $0x4  }
0xc7: {  	[tilespmem:v10+s15+$0x0] =	vst.idx.msk $0xffff, v2  }
0xc8: {  	[hbm4b:s4+s2] =	stream.linear.scatter [tilespmem:s15], [sflag:$0x2], $0x10000, $0x38;
	[tilespmem:$0x10480] =	vst v63  }
0xc9: {  	_ =	swait.ge [sflag:s16], $0x10000  }
0xca: {  	[sflag:s16] =	ssyncset.done $0x0  }
0xcb: {  	[sflag:s16] =	ssyncadd.s32 $0xFFFF0000  }
0xcc: {  	v10 =	vld [tilespmem:$0x0];
	_ =	sdelay $0x4  }
0xcd: {  	v11 =	vshll.u32 v10, $0x3  }
0xce: {  	v10 =	vand.u32 $0x7F, v10;
	v11 =	vand.u32 $0xFFFFFC00, v11  }
0xcf: {  	v10 =	vor.u32 v10, v11  }
0xd0: {  	v10 =	vadd.s32 v1, v10;
	_ =	sdelay $0x4  }
0xd1: {  	[tilespmem:v10+s15+$0x0] =	vst.idx.msk $0xffff, v0  }
0xd2: {  	v10 =	vld [tilespmem:$0x10];
	_ =	sdelay $0x4  }
0xd3: {  	v11 =	vshll.u32 v10, $0x3  }
0xd4: {  	v10 =	vand.u32 $0x7F, v10;
	v11 =	vand.u32 $0xFFFFFC00, v11  }
0xd5: {  	v10 =	vor.u32 v10, v11  }
0xd6: {  	v10 =	vadd.s32 v3, v10;
	_ =	sdelay $0x4  }
0xd7: {  	[tilespmem:v10+s15+$0x0] =	vst.idx.msk $0xffff, v0  }
0xd8: {  	v10 =	vld [tilespmem:$0x20];
	_ =	sdelay $0x4  }
0xd9: {  	v11 =	vshll.u32 v10, $0x3  }
0xda: {  	v10 =	vand.u32 $0x7F, v10;
	v11 =	vand.u32 $0xFFFFFC00, v11  }
0xdb: {  	v10 =	vor.u32 v10, v11  }
0xdc: {  	v10 =	vadd.s32 v4, v10;
	_ =	sdelay $0x4  }
0xdd: {  	[tilespmem:v10+s15+$0x0] =	vst.idx.msk $0xffff, v0  }
0xde: {  	v10 =	vld [tilespmem:$0x30];
	_ =	sdelay $0x4  }
0xdf: {  	v11 =	vshll.u32 v10, $0x3  }
0xe0: {  	v10 =	vand.u32 $0x7F, v10;
	v11 =	vand.u32 $0xFFFFFC00, v11  }
0xe1: {  	v10 =	vor.u32 v10, v11  }
0xe2: {  	v10 =	vadd.s32 v5, v10;
	_ =	sdelay $0x4  }
0xe3: {  	[tilespmem:v10+s15+$0x0] =	vst.idx.msk $0xffff, v0  }
0xe4: {  	v10 =	vld [tilespmem:$0x40];
	_ =	sdelay $0x4  }
0xe5: {  	v11 =	vshll.u32 v10, $0x3  }
0xe6: {  	v10 =	vand.u32 $0x7F, v10;
	v11 =	vand.u32 $0xFFFFFC00, v11  }
0xe7: {  	v10 =	vor.u32 v10, v11  }
0xe8: {  	v10 =	vadd.s32 v6, v10;
	_ =	sdelay $0x4  }
0xe9: {  	[tilespmem:v10+s15+$0x0] =	vst.idx.msk $0xffff, v0  }
0xea: {  	v10 =	vld [tilespmem:$0x50];
	_ =	sdelay $0x4  }
0xeb: {  	v11 =	vshll.u32 v10, $0x3  }
0xec: {  	v10 =	vand.u32 $0x7F, v10;
	v11 =	vand.u32 $0xFFFFFC00, v11  }
0xed: {  	v10 =	vor.u32 v10, v11  }
0xee: {  	v10 =	vadd.s32 v7, v10;
	_ =	sdelay $0x4  }
0xef: {  	[tilespmem:v10+s15+$0x0] =	vst.idx.msk $0xffff, v0  }
0xf0: {  	v10 =	vld [tilespmem:$0x60];
	_ =	sdelay $0x4  }
0xf1: {  	v11 =	vshll.u32 v10, $0x3  }
0xf2: {  	v10 =	vand.u32 $0x7F, v10;
	v11 =	vand.u32 $0xFFFFFC00, v11  }
0xf3: {  	v10 =	vor.u32 v10, v11  }
0xf4: {  	v10 =	vadd.s32 v8, v10;
	_ =	sdelay $0x4  }
0xf5: {  	[tilespmem:v10+s15+$0x0] =	vst.idx.msk $0xffff, v0  }
0xf6: {  	v10 =	vld [tilespmem:$0x70];
	_ =	sdelay $0x4  }
0xf7: {  	v11 =	vshll.u32 v10, $0x3  }
0xf8: {  	v10 =	vand.u32 $0x7F, v10;
	v11 =	vand.u32 $0xFFFFFC00, v11  }
0xf9: {  	v10 =	vor.u32 v10, v11  }
0xfa: {  	v10 =	vadd.s32 v9, v10;
	_ =	sdelay $0x4  }
0xfb: {  	[tilespmem:v10+s15+$0x0] =	vst.idx.msk $0xffff, v0  }
0xfc: {  	v10 =	vld [tilespmem:$0x80];
	_ =	sdelay $0x4  }
0xfd: {  	v11 =	vshll.u32 v10, $0x3  }
0xfe: {  	v10 =	vand.u32 $0x7F, v10;
	v11 =	vand.u32 $0xFFFFFC00, v11  }
0xff: {  	v10 =	vor.u32 v10, v11  }
0x100: {  	v10 =	vadd.s32 v1, v10;
	_ =	sdelay $0x4  }
0x101: {  	[tilespmem:v10+s15+$0x0] =	vst.idx.msk $0xffff, v2  }
0x102: {  	v10 =	vld [tilespmem:$0x90];
	_ =	sdelay $0x4  }
0x103: {  	v11 =	vshll.u32 v10, $0x3  }
0x104: {  	v10 =	vand.u32 $0x7F, v10;
	v11 =	vand.u32 $0xFFFFFC00, v11  }
0x105: {  	v10 =	vor.u32 v10, v11  }
0x106: {  	v10 =	vadd.s32 v3, v10;
	_ =	sdelay $0x4  }
0x107: {  	[tilespmem:v10+s15+$0x0] =	vst.idx.msk $0xffff, v2  }
0x108: {  	v10 =	vld [tilespmem:$0xA0];
	_ =	sdelay $0x4  }
0x109: {  	v11 =	vshll.u32 v10, $0x3  }
0x10a: {  	v10 =	vand.u32 $0x7F, v10;
	v11 =	vand.u32 $0xFFFFFC00, v11  }
0x10b: {  	v10 =	vor.u32 v10, v11  }
0x10c: {  	v10 =	vadd.s32 v4, v10;
	_ =	sdelay $0x4  }
0x10d: {  	[tilespmem:v10+s15+$0x0] =	vst.idx.msk $0xffff, v2  }
0x10e: {  	v10 =	vld [tilespmem:$0xB0];
	_ =	sdelay $0x4  }
0x10f: {  	v11 =	vshll.u32 v10, $0x3  }
0x110: {  	v10 =	vand.u32 $0x7F, v10;
	v11 =	vand.u32 $0xFFFFFC00, v11  }
0x111: {  	v10 =	vor.u32 v10, v11  }
0x112: {  	v10 =	vadd.s32 v5, v10;
	_ =	sdelay $0x4  }
0x113: {  	[tilespmem:v10+s15+$0x0] =	vst.idx.msk $0xffff, v2  }
0x114: {  	v10 =	vld [tilespmem:$0xC0];
	_ =	sdelay $0x4  }
0x115: {  	v11 =	vshll.u32 v10, $0x3  }
0x116: {  	v10 =	vand.u32 $0x7F, v10;
	v11 =	vand.u32 $0xFFFFFC00, v11  }
0x117: {  	v10 =	vor.u32 v10, v11  }
0x118: {  	v10 =	vadd.s32 v6, v10;
	_ =	sdelay $0x4  }
0x119: {  	[tilespmem:v10+s15+$0x0] =	vst.idx.msk $0xffff, v2  }
0x11a: {  	v10 =	vld [tilespmem:$0xD0];
	_ =	sdelay $0x4  }
0x11b: {  	v11 =	vshll.u32 v10, $0x3  }
0x11c: {  	v10 =	vand.u32 $0x7F, v10;
	v11 =	vand.u32 $0xFFFFFC00, v11  }
0x11d: {  	v10 =	vor.u32 v10, v11  }
0x11e: {  	v10 =	vadd.s32 v7, v10;
	_ =	sdelay $0x4  }
0x11f: {  	[tilespmem:v10+s15+$0x0] =	vst.idx.msk $0xffff, v2  }
0x120: {  	v10 =	vld [tilespmem:$0xE0];
	_ =	sdelay $0x4  }
0x121: {  	v11 =	vshll.u32 v10, $0x3  }
0x122: {  	v10 =	vand.u32 $0x7F, v10;
	v11 =	vand.u32 $0xFFFFFC00, v11  }
0x123: {  	v10 =	vor.u32 v10, v11  }
0x124: {  	v10 =	vadd.s32 v8, v10;
	_ =	sdelay $0x4  }
0x125: {  	[tilespmem:v10+s15+$0x0] =	vst.idx.msk $0xffff, v2  }
0x126: {  	v10 =	vld [tilespmem:$0xF0];
	_ =	sdelay $0x4  }
0x127: {  	v11 =	vshll.u32 v10, $0x3  }
0x128: {  	v10 =	vand.u32 $0x7F, v10;
	v11 =	vand.u32 $0xFFFFFC00, v11  }
0x129: {  	v10 =	vor.u32 v10, v11  }
0x12a: {  	v10 =	vadd.s32 v9, v10;
	_ =	sdelay $0x4  }
0x12b: {  	[tilespmem:v10+s15+$0x0] =	vst.idx.msk $0xffff, v2  }
0x12c: {  	[hbm4b:s5+s2] =	stream.linear.scatter [tilespmem:s15], [sflag:$0x2], $0x10000, $0x38;
	[tilespmem:$0x10480] =	vst v63  }
0x12d: {  	_ =	swait.ge [sflag:s16], $0x10000  }
0x12e: {  	[sflag:s16] =	ssyncset.done $0x0  }
0x12f: {  	[sflag:s16] =	ssyncadd.s32 $0xFFFF0000  }
0x130: {  	v10 =	vld [tilespmem:$0x80];
	_ =	sdelay $0x4  }
0x131: {  	v11 =	vshll.u32 v10, $0x3  }
0x132: {  	v10 =	vand.u32 $0x7F, v10;
	v11 =	vand.u32 $0xFFFFFC00, v11  }
0x133: {  	v10 =	vor.u32 v10, v11  }
0x134: {  	v10 =	vadd.s32 v1, v10;
	_ =	sdelay $0x4  }
0x135: {  	[tilespmem:v10+s15+$0x0] =	vst.idx.msk $0xffff, v0  }
0x136: {  	v10 =	vld [tilespmem:$0x90];
	_ =	sdelay $0x4  }
0x137: {  	v11 =	vshll.u32 v10, $0x3  }
0x138: {  	v10 =	vand.u32 $0x7F, v10;
	v11 =	vand.u32 $0xFFFFFC00, v11  }
0x139: {  	v10 =	vor.u32 v10, v11  }
0x13a: {  	v10 =	vadd.s32 v3, v10;
	_ =	sdelay $0x4  }
0x13b: {  	[tilespmem:v10+s15+$0x0] =	vst.idx.msk $0xffff, v0  }
0x13c: {  	v10 =	vld [tilespmem:$0xA0];
	_ =	sdelay $0x4  }
0x13d: {  	v11 =	vshll.u32 v10, $0x3  }
0x13e: {  	v10 =	vand.u32 $0x7F, v10;
	v11 =	vand.u32 $0xFFFFFC00, v11  }
0x13f: {  	v10 =	vor.u32 v10, v11  }
0x140: {  	v10 =	vadd.s32 v4, v10;
	_ =	sdelay $0x4  }
0x141: {  	[tilespmem:v10+s15+$0x0] =	vst.idx.msk $0xffff, v0  }
0x142: {  	v10 =	vld [tilespmem:$0xB0];
	_ =	sdelay $0x4  }
0x143: {  	v11 =	vshll.u32 v10, $0x3  }
0x144: {  	v10 =	vand.u32 $0x7F, v10;
	v11 =	vand.u32 $0xFFFFFC00, v11  }
0x145: {  	v10 =	vor.u32 v10, v11  }
0x146: {  	v10 =	vadd.s32 v5, v10;
	_ =	sdelay $0x4  }
0x147: {  	[tilespmem:v10+s15+$0x0] =	vst.idx.msk $0xffff, v0  }
0x148: {  	v10 =	vld [tilespmem:$0xC0];
	_ =	sdelay $0x4  }
0x149: {  	v11 =	vshll.u32 v10, $0x3  }
0x14a: {  	v10 =	vand.u32 $0x7F, v10;
	v11 =	vand.u32 $0xFFFFFC00, v11  }
0x14b: {  	v10 =	vor.u32 v10, v11  }
0x14c: {  	v10 =	vadd.s32 v6, v10;
	_ =	sdelay $0x4  }
0x14d: {  	[tilespmem:v10+s15+$0x0] =	vst.idx.msk $0xffff, v0  }
0x14e: {  	v10 =	vld [tilespmem:$0xD0];
	_ =	sdelay $0x4  }
0x14f: {  	v11 =	vshll.u32 v10, $0x3  }
0x150: {  	v10 =	vand.u32 $0x7F, v10;
	v11 =	vand.u32 $0xFFFFFC00, v11  }
0x151: {  	v10 =	vor.u32 v10, v11  }
0x152: {  	v10 =	vadd.s32 v7, v10;
	_ =	sdelay $0x4  }
0x153: {  	[tilespmem:v10+s15+$0x0] =	vst.idx.msk $0xffff, v0  }
0x154: {  	v10 =	vld [tilespmem:$0xE0];
	_ =	sdelay $0x4  }
0x155: {  	v11 =	vshll.u32 v10, $0x3  }
0x156: {  	v10 =	vand.u32 $0x7F, v10;
	v11 =	vand.u32 $0xFFFFFC00, v11  }
0x157: {  	v10 =	vor.u32 v10, v11  }
0x158: {  	v10 =	vadd.s32 v8, v10;
	_ =	sdelay $0x4  }
0x159: {  	[tilespmem:v10+s15+$0x0] =	vst.idx.msk $0xffff, v0  }
0x15a: {  	v10 =	vld [tilespmem:$0xF0];
	_ =	sdelay $0x4  }
0x15b: {  	v11 =	vshll.u32 v10, $0x3  }
0x15c: {  	v10 =	vand.u32 $0x7F, v10;
	v11 =	vand.u32 $0xFFFFFC00, v11  }
0x15d: {  	v10 =	vor.u32 v10, v11  }
0x15e: {  	v10 =	vadd.s32 v9, v10;
	_ =	sdelay $0x4  }
0x15f: {  	[tilespmem:v10+s15+$0x0] =	vst.idx.msk $0xffff, v0  }
0x160: {  	v10 =	vld [tilespmem:$0x100];
	_ =	sdelay $0x4  }
0x161: {  	v11 =	vshll.u32 v10, $0x3  }
0x162: {  	v10 =	vand.u32 $0x7F, v10;
	v11 =	vand.u32 $0xFFFFFC00, v11  }
0x163: {  	v10 =	vor.u32 v10, v11  }
0x164: {  	v10 =	vadd.s32 v1, v10;
	_ =	sdelay $0x4  }
0x165: {  	[tilespmem:v10+s15+$0x0] =	vst.idx.msk $0xffff, v2  }
0x166: {  	v10 =	vld [tilespmem:$0x110];
	_ =	sdelay $0x4  }
0x167: {  	v11 =	vshll.u32 v10, $0x3  }
0x168: {  	v10 =	vand.u32 $0x7F, v10;
	v11 =	vand.u32 $0xFFFFFC00, v11  }
0x169: {  	v10 =	vor.u32 v10, v11  }
0x16a: {  	v10 =	vadd.s32 v3, v10;
	_ =	sdelay $0x4  }
0x16b: {  	[tilespmem:v10+s15+$0x0] =	vst.idx.msk $0xffff, v2  }
0x16c: {  	v10 =	vld [tilespmem:$0x120];
	_ =	sdelay $0x4  }
0x16d: {  	v11 =	vshll.u32 v10, $0x3  }
0x16e: {  	v10 =	vand.u32 $0x7F, v10;
	v11 =	vand.u32 $0xFFFFFC00, v11  }
0x16f: {  	v10 =	vor.u32 v10, v11  }
0x170: {  	v10 =	vadd.s32 v4, v10;
	_ =	sdelay $0x4  }
0x171: {  	[tilespmem:v10+s15+$0x0] =	vst.idx.msk $0xffff, v2  }
0x172: {  	v10 =	vld [tilespmem:$0x130];
	_ =	sdelay $0x4  }
0x173: {  	v11 =	vshll.u32 v10, $0x3  }
0x174: {  	v10 =	vand.u32 $0x7F, v10;
	v11 =	vand.u32 $0xFFFFFC00, v11  }
0x175: {  	v10 =	vor.u32 v10, v11  }
0x176: {  	v10 =	vadd.s32 v5, v10;
	_ =	sdelay $0x4  }
0x177: {  	[tilespmem:v10+s15+$0x0] =	vst.idx.msk $0xffff, v2  }
0x178: {  	v10 =	vld [tilespmem:$0x140];
	_ =	sdelay $0x4  }
0x179: {  	v11 =	vshll.u32 v10, $0x3  }
0x17a: {  	v10 =	vand.u32 $0x7F, v10;
	v11 =	vand.u32 $0xFFFFFC00, v11  }
0x17b: {  	v10 =	vor.u32 v10, v11  }
0x17c: {  	v10 =	vadd.s32 v6, v10;
	_ =	sdelay $0x4  }
0x17d: {  	[tilespmem:v10+s15+$0x0] =	vst.idx.msk $0xffff, v2  }
0x17e: {  	v10 =	vld [tilespmem:$0x150];
	_ =	sdelay $0x4  }
0x17f: {  	v11 =	vshll.u32 v10, $0x3  }
0x180: {  	v10 =	vand.u32 $0x7F, v10;
	v11 =	vand.u32 $0xFFFFFC00, v11  }
0x181: {  	v10 =	vor.u32 v10, v11  }
0x182: {  	v10 =	vadd.s32 v7, v10;
	_ =	sdelay $0x4  }
0x183: {  	[tilespmem:v10+s15+$0x0] =	vst.idx.msk $0xffff, v2  }
0x184: {  	v10 =	vld [tilespmem:$0x160];
	_ =	sdelay $0x4  }
0x185: {  	v11 =	vshll.u32 v10, $0x3  }
0x186: {  	v10 =	vand.u32 $0x7F, v10;
	v11 =	vand.u32 $0xFFFFFC00, v11  }
0x187: {  	v10 =	vor.u32 v10, v11  }
0x188: {  	v10 =	vadd.s32 v8, v10;
	_ =	sdelay $0x4  }
0x189: {  	[tilespmem:v10+s15+$0x0] =	vst.idx.msk $0xffff, v2  }
0x18a: {  	v10 =	vld [tilespmem:$0x170];
	_ =	sdelay $0x4  }
0x18b: {  	v11 =	vshll.u32 v10, $0x3  }
0x18c: {  	v10 =	vand.u32 $0x7F, v10;
	v11 =	vand.u32 $0xFFFFFC00, v11  }
0x18d: {  	v10 =	vor.u32 v10, v11  }
0x18e: {  	v10 =	vadd.s32 v9, v10;
	_ =	sdelay $0x4  }
0x18f: {  	[tilespmem:v10+s15+$0x0] =	vst.idx.msk $0xffff, v2  }
0x190: {  	[hbm4b:s6+s2] =	stream.linear.scatter [tilespmem:s15], [sflag:$0x2], $0x10000, $0x38;
	[tilespmem:$0x10480] =	vst v63  }
0x191: {  	_ =	swait.ge [sflag:s16], $0x10000  }
0x192: {  	[sflag:s16] =	ssyncset.done $0x0  }
0x193: {  	[sflag:s16] =	ssyncadd.s32 $0xFFFF0000  }
0x194: {  	v10 =	vld [tilespmem:$0x100];
	_ =	sdelay $0x4  }
0x195: {  	v11 =	vshll.u32 v10, $0x3  }
0x196: {  	v10 =	vand.u32 $0x7F, v10;
	v11 =	vand.u32 $0xFFFFFC00, v11  }
0x197: {  	v10 =	vor.u32 v10, v11  }
0x198: {  	v10 =	vadd.s32 v1, v10;
	_ =	sdelay $0x4  }
0x199: {  	[tilespmem:v10+s15+$0x0] =	vst.idx.msk $0xffff, v0  }
0x19a: {  	v10 =	vld [tilespmem:$0x110];
	_ =	sdelay $0x4  }
0x19b: {  	v11 =	vshll.u32 v10, $0x3  }
0x19c: {  	v10 =	vand.u32 $0x7F, v10;
	v11 =	vand.u32 $0xFFFFFC00, v11  }
0x19d: {  	v10 =	vor.u32 v10, v11  }
0x19e: {  	v10 =	vadd.s32 v3, v10;
	_ =	sdelay $0x4  }
0x19f: {  	[tilespmem:v10+s15+$0x0] =	vst.idx.msk $0xffff, v0  }
0x1a0: {  	v10 =	vld [tilespmem:$0x120];
	_ =	sdelay $0x4  }
0x1a1: {  	v11 =	vshll.u32 v10, $0x3  }
0x1a2: {  	v10 =	vand.u32 $0x7F, v10;
	v11 =	vand.u32 $0xFFFFFC00, v11  }
0x1a3: {  	v10 =	vor.u32 v10, v11  }
0x1a4: {  	v10 =	vadd.s32 v4, v10;
	_ =	sdelay $0x4  }
0x1a5: {  	[tilespmem:v10+s15+$0x0] =	vst.idx.msk $0xffff, v0  }
0x1a6: {  	v10 =	vld [tilespmem:$0x130];
	_ =	sdelay $0x4  }
0x1a7: {  	v11 =	vshll.u32 v10, $0x3  }
0x1a8: {  	v10 =	vand.u32 $0x7F, v10;
	v11 =	vand.u32 $0xFFFFFC00, v11  }
0x1a9: {  	v10 =	vor.u32 v10, v11  }
0x1aa: {  	v10 =	vadd.s32 v5, v10;
	_ =	sdelay $0x4  }
0x1ab: {  	[tilespmem:v10+s15+$0x0] =	vst.idx.msk $0xffff, v0  }
0x1ac: {  	v10 =	vld [tilespmem:$0x140];
	_ =	sdelay $0x4  }
0x1ad: {  	v11 =	vshll.u32 v10, $0x3  }
0x1ae: {  	v10 =	vand.u32 $0x7F, v10;
	v11 =	vand.u32 $0xFFFFFC00, v11  }
0x1af: {  	v10 =	vor.u32 v10, v11  }
0x1b0: {  	v10 =	vadd.s32 v6, v10;
	_ =	sdelay $0x4  }
0x1b1: {  	[tilespmem:v10+s15+$0x0] =	vst.idx.msk $0xffff, v0  }
0x1b2: {  	v10 =	vld [tilespmem:$0x150];
	_ =	sdelay $0x4  }
0x1b3: {  	v11 =	vshll.u32 v10, $0x3  }
0x1b4: {  	v10 =	vand.u32 $0x7F, v10;
	v11 =	vand.u32 $0xFFFFFC00, v11  }
0x1b5: {  	v10 =	vor.u32 v10, v11  }
0x1b6: {  	v10 =	vadd.s32 v7, v10;
	_ =	sdelay $0x4  }
0x1b7: {  	[tilespmem:v10+s15+$0x0] =	vst.idx.msk $0xffff, v0  }
0x1b8: {  	v10 =	vld [tilespmem:$0x160];
	_ =	sdelay $0x4  }
0x1b9: {  	v11 =	vshll.u32 v10, $0x3  }
0x1ba: {  	v10 =	vand.u32 $0x7F, v10;
	v11 =	vand.u32 $0xFFFFFC00, v11  }
0x1bb: {  	v10 =	vor.u32 v10, v11  }
0x1bc: {  	v10 =	vadd.s32 v8, v10;
	_ =	sdelay $0x4  }
0x1bd: {  	[tilespmem:v10+s15+$0x0] =	vst.idx.msk $0xffff, v0  }
0x1be: {  	v10 =	vld [tilespmem:$0x170];
	_ =	sdelay $0x4  }
0x1bf: {  	v11 =	vshll.u32 v10, $0x3  }
0x1c0: {  	v10 =	vand.u32 $0x7F, v10;
	v11 =	vand.u32 $0xFFFFFC00, v11  }
0x1c1: {  	v10 =	vor.u32 v10, v11  }
0x1c2: {  	v10 =	vadd.s32 v9, v10;
	_ =	sdelay $0x4  }
0x1c3: {  	[tilespmem:v10+s15+$0x0] =	vst.idx.msk $0xffff, v0  }
0x1c4: {  	v10 =	vld [tilespmem:$0x180];
	_ =	sdelay $0x4  }
0x1c5: {  	v11 =	vshll.u32 v10, $0x3  }
0x1c6: {  	v10 =	vand.u32 $0x7F, v10;
	v11 =	vand.u32 $0xFFFFFC00, v11  }
0x1c7: {  	v10 =	vor.u32 v10, v11  }
0x1c8: {  	v10 =	vadd.s32 v1, v10;
	_ =	sdelay $0x4  }
0x1c9: {  	[tilespmem:v10+s15+$0x0] =	vst.idx.msk $0xffff, v2  }
0x1ca: {  	v10 =	vld [tilespmem:$0x190];
	_ =	sdelay $0x4  }
0x1cb: {  	v11 =	vshll.u32 v10, $0x3  }
0x1cc: {  	v10 =	vand.u32 $0x7F, v10;
	v11 =	vand.u32 $0xFFFFFC00, v11  }
0x1cd: {  	v10 =	vor.u32 v10, v11  }
0x1ce: {  	v10 =	vadd.s32 v3, v10;
	_ =	sdelay $0x4  }
0x1cf: {  	[tilespmem:v10+s15+$0x0] =	vst.idx.msk $0xffff, v2  }
0x1d0: {  	v10 =	vld [tilespmem:$0x1A0];
	_ =	sdelay $0x4  }
0x1d1: {  	v11 =	vshll.u32 v10, $0x3  }
0x1d2: {  	v10 =	vand.u32 $0x7F, v10;
	v11 =	vand.u32 $0xFFFFFC00, v11  }
0x1d3: {  	v10 =	vor.u32 v10, v11  }
0x1d4: {  	v10 =	vadd.s32 v4, v10;
	_ =	sdelay $0x4  }
0x1d5: {  	[tilespmem:v10+s15+$0x0] =	vst.idx.msk $0xffff, v2  }
0x1d6: {  	v10 =	vld [tilespmem:$0x1B0];
	_ =	sdelay $0x4  }
0x1d7: {  	v11 =	vshll.u32 v10, $0x3  }
0x1d8: {  	v10 =	vand.u32 $0x7F, v10;
	v11 =	vand.u32 $0xFFFFFC00, v11  }
0x1d9: {  	v10 =	vor.u32 v10, v11  }
0x1da: {  	v10 =	vadd.s32 v5, v10;
	_ =	sdelay $0x4  }
0x1db: {  	[tilespmem:v10+s15+$0x0] =	vst.idx.msk $0xffff, v2  }
0x1dc: {  	v10 =	vld [tilespmem:$0x1C0];
	_ =	sdelay $0x4  }
0x1dd: {  	v11 =	vshll.u32 v10, $0x3  }
0x1de: {  	v10 =	vand.u32 $0x7F, v10;
	v11 =	vand.u32 $0xFFFFFC00, v11  }
0x1df: {  	v10 =	vor.u32 v10, v11  }
0x1e0: {  	v10 =	vadd.s32 v6, v10;
	_ =	sdelay $0x4  }
0x1e1: {  	[tilespmem:v10+s15+$0x0] =	vst.idx.msk $0xffff, v2  }
0x1e2: {  	v10 =	vld [tilespmem:$0x1D0];
	_ =	sdelay $0x4  }
0x1e3: {  	v11 =	vshll.u32 v10, $0x3  }
0x1e4: {  	v10 =	vand.u32 $0x7F, v10;
	v11 =	vand.u32 $0xFFFFFC00, v11  }
0x1e5: {  	v10 =	vor.u32 v10, v11  }
0x1e6: {  	v10 =	vadd.s32 v7, v10;
	_ =	sdelay $0x4  }
0x1e7: {  	[tilespmem:v10+s15+$0x0] =	vst.idx.msk $0xffff, v2  }
0x1e8: {  	v10 =	vld [tilespmem:$0x1E0];
	_ =	sdelay $0x4  }
0x1e9: {  	v11 =	vshll.u32 v10, $0x3  }
0x1ea: {  	v10 =	vand.u32 $0x7F, v10;
	v11 =	vand.u32 $0xFFFFFC00, v11  }
0x1eb: {  	v10 =	vor.u32 v10, v11  }
0x1ec: {  	v10 =	vadd.s32 v8, v10;
	_ =	sdelay $0x4  }
0x1ed: {  	[tilespmem:v10+s15+$0x0] =	vst.idx.msk $0xffff, v2  }
0x1ee: {  	v10 =	vld [tilespmem:$0x1F0];
	_ =	sdelay $0x4  }
0x1ef: {  	v11 =	vshll.u32 v10, $0x3  }
0x1f0: {  	v10 =	vand.u32 $0x7F, v10;
	v11 =	vand.u32 $0xFFFFFC00, v11  }
0x1f1: {  	v10 =	vor.u32 v10, v11  }
0x1f2: {  	v10 =	vadd.s32 v9, v10;
	_ =	sdelay $0x4  }
0x1f3: {  	[tilespmem:v10+s15+$0x0] =	vst.idx.msk $0xffff, v2  }
0x1f4: {  	[hbm4b:s7+s2] =	stream.linear.scatter [tilespmem:s15], [sflag:$0x2], $0x10000, $0x38;
	[tilespmem:$0x10480] =	vst v63  }
0x1f5: {  	_ =	swait.ge [sflag:s16], $0x10000  }
0x1f6: {  	[sflag:s16] =	ssyncset.done $0x0  }
0x1f7: {  	[sflag:s16] =	ssyncadd.s32 $0xFFFF0000  }
0x1f8: {  	v10 =	vld [tilespmem:$0x180];
	_ =	sdelay $0x4  }
0x1f9: {  	v11 =	vshll.u32 v10, $0x3  }
0x1fa: {  	v10 =	vand.u32 $0x7F, v10;
	v11 =	vand.u32 $0xFFFFFC00, v11  }
0x1fb: {  	v10 =	vor.u32 v10, v11  }
0x1fc: {  	v10 =	vadd.s32 v1, v10;
	_ =	sdelay $0x4  }
0x1fd: {  	[tilespmem:v10+s15+$0x0] =	vst.idx.msk $0xffff, v0  }
0x1fe: {  	v10 =	vld [tilespmem:$0x190];
	_ =	sdelay $0x4  }
0x1ff: {  	v11 =	vshll.u32 v10, $0x3  }
0x200: {  	v10 =	vand.u32 $0x7F, v10;
	v11 =	vand.u32 $0xFFFFFC00, v11  }
0x201: {  	v10 =	vor.u32 v10, v11  }
0x202: {  	v10 =	vadd.s32 v3, v10;
	_ =	sdelay $0x4  }
0x203: {  	[tilespmem:v10+s15+$0x0] =	vst.idx.msk $0xffff, v0  }
0x204: {  	v10 =	vld [tilespmem:$0x1A0];
	_ =	sdelay $0x4  }
0x205: {  	v11 =	vshll.u32 v10, $0x3  }
0x206: {  	v10 =	vand.u32 $0x7F, v10;
	v11 =	vand.u32 $0xFFFFFC00, v11  }
0x207: {  	v10 =	vor.u32 v10, v11  }
0x208: {  	v10 =	vadd.s32 v4, v10;
	_ =	sdelay $0x4  }
0x209: {  	[tilespmem:v10+s15+$0x0] =	vst.idx.msk $0xffff, v0  }
0x20a: {  	v10 =	vld [tilespmem:$0x1B0];
	_ =	sdelay $0x4  }
0x20b: {  	v11 =	vshll.u32 v10, $0x3  }
0x20c: {  	v10 =	vand.u32 $0x7F, v10;
	v11 =	vand.u32 $0xFFFFFC00, v11  }
0x20d: {  	v10 =	vor.u32 v10, v11  }
0x20e: {  	v10 =	vadd.s32 v5, v10;
	_ =	sdelay $0x4  }
0x20f: {  	[tilespmem:v10+s15+$0x0] =	vst.idx.msk $0xffff, v0  }
0x210: {  	v10 =	vld [tilespmem:$0x1C0];
	_ =	sdelay $0x4  }
0x211: {  	v11 =	vshll.u32 v10, $0x3  }
0x212: {  	v10 =	vand.u32 $0x7F, v10;
	v11 =	vand.u32 $0xFFFFFC00, v11  }
0x213: {  	v10 =	vor.u32 v10, v11  }
0x214: {  	v10 =	vadd.s32 v6, v10;
	_ =	sdelay $0x4  }
0x215: {  	[tilespmem:v10+s15+$0x0] =	vst.idx.msk $0xffff, v0  }
0x216: {  	v10 =	vld [tilespmem:$0x1D0];
	_ =	sdelay $0x4  }
0x217: {  	v11 =	vshll.u32 v10, $0x3  }
0x218: {  	v10 =	vand.u32 $0x7F, v10;
	v11 =	vand.u32 $0xFFFFFC00, v11  }
0x219: {  	v10 =	vor.u32 v10, v11  }
0x21a: {  	v10 =	vadd.s32 v7, v10;
	_ =	sdelay $0x4  }
0x21b: {  	[tilespmem:v10+s15+$0x0] =	vst.idx.msk $0xffff, v0  }
0x21c: {  	v10 =	vld [tilespmem:$0x1E0];
	_ =	sdelay $0x4  }
0x21d: {  	v11 =	vshll.u32 v10, $0x3  }
0x21e: {  	v10 =	vand.u32 $0x7F, v10;
	v11 =	vand.u32 $0xFFFFFC00, v11  }
0x21f: {  	v10 =	vor.u32 v10, v11  }
0x220: {  	v10 =	vadd.s32 v8, v10;
	_ =	sdelay $0x4  }
0x221: {  	[tilespmem:v10+s15+$0x0] =	vst.idx.msk $0xffff, v0  }
0x222: {  	v10 =	vld [tilespmem:$0x1F0];
	_ =	sdelay $0x4  }
0x223: {  	v11 =	vshll.u32 v10, $0x3  }
0x224: {  	v10 =	vand.u32 $0x7F, v10;
	v11 =	vand.u32 $0xFFFFFC00, v11  }
0x225: {  	v10 =	vor.u32 v10, v11  }
0x226: {  	v10 =	vadd.s32 v9, v10;
	_ =	sdelay $0x4  }
0x227: {  	[tilespmem:v10+s15+$0x0] =	vst.idx.msk $0xffff, v0  }
0x228: {  	v10 =	vld [tilespmem:$0x200];
	_ =	sdelay $0x4  }
0x229: {  	v11 =	vshll.u32 v10, $0x3  }
0x22a: {  	v10 =	vand.u32 $0x7F, v10;
	v11 =	vand.u32 $0xFFFFFC00, v11  }
0x22b: {  	v10 =	vor.u32 v10, v11  }
0x22c: {  	v10 =	vadd.s32 v1, v10;
	_ =	sdelay $0x4  }
0x22d: {  	[tilespmem:v10+s15+$0x0] =	vst.idx.msk $0xffff, v2  }
0x22e: {  	v10 =	vld [tilespmem:$0x210];
	_ =	sdelay $0x4  }
0x22f: {  	v11 =	vshll.u32 v10, $0x3  }
0x230: {  	v10 =	vand.u32 $0x7F, v10;
	v11 =	vand.u32 $0xFFFFFC00, v11  }
0x231: {  	v10 =	vor.u32 v10, v11  }
0x232: {  	v10 =	vadd.s32 v3, v10;
	_ =	sdelay $0x4  }
0x233: {  	[tilespmem:v10+s15+$0x0] =	vst.idx.msk $0xffff, v2  }
0x234: {  	v10 =	vld [tilespmem:$0x220];
	_ =	sdelay $0x4  }
0x235: {  	v11 =	vshll.u32 v10, $0x3  }
0x236: {  	v10 =	vand.u32 $0x7F, v10;
	v11 =	vand.u32 $0xFFFFFC00, v11  }
0x237: {  	v10 =	vor.u32 v10, v11  }
0x238: {  	v10 =	vadd.s32 v4, v10;
	_ =	sdelay $0x4  }
0x239: {  	[tilespmem:v10+s15+$0x0] =	vst.idx.msk $0xffff, v2  }
0x23a: {  	v10 =	vld [tilespmem:$0x230];
	_ =	sdelay $0x4  }
0x23b: {  	v11 =	vshll.u32 v10, $0x3  }
0x23c: {  	v10 =	vand.u32 $0x7F, v10;
	v11 =	vand.u32 $0xFFFFFC00, v11  }
0x23d: {  	v10 =	vor.u32 v10, v11  }
0x23e: {  	v10 =	vadd.s32 v5, v10;
	_ =	sdelay $0x4  }
0x23f: {  	[tilespmem:v10+s15+$0x0] =	vst.idx.msk $0xffff, v2  }
0x240: {  	v10 =	vld [tilespmem:$0x240];
	_ =	sdelay $0x4  }
0x241: {  	v11 =	vshll.u32 v10, $0x3  }
0x242: {  	v10 =	vand.u32 $0x7F, v10;
	v11 =	vand.u32 $0xFFFFFC00, v11  }
0x243: {  	v10 =	vor.u32 v10, v11  }
0x244: {  	v10 =	vadd.s32 v6, v10;
	_ =	sdelay $0x4  }
0x245: {  	[tilespmem:v10+s15+$0x0] =	vst.idx.msk $0xffff, v2  }
0x246: {  	v10 =	vld [tilespmem:$0x250];
	_ =	sdelay $0x4  }
0x247: {  	v11 =	vshll.u32 v10, $0x3  }
0x248: {  	v10 =	vand.u32 $0x7F, v10;
	v11 =	vand.u32 $0xFFFFFC00, v11  }
0x249: {  	v10 =	vor.u32 v10, v11  }
0x24a: {  	v10 =	vadd.s32 v7, v10;
	_ =	sdelay $0x4  }
0x24b: {  	[tilespmem:v10+s15+$0x0] =	vst.idx.msk $0xffff, v2  }
0x24c: {  	v10 =	vld [tilespmem:$0x260];
	_ =	sdelay $0x4  }
0x24d: {  	v11 =	vshll.u32 v10, $0x3  }
0x24e: {  	v10 =	vand.u32 $0x7F, v10;
	v11 =	vand.u32 $0xFFFFFC00, v11  }
0x24f: {  	v10 =	vor.u32 v10, v11  }
0x250: {  	v10 =	vadd.s32 v8, v10;
	_ =	sdelay $0x4  }
0x251: {  	[tilespmem:v10+s15+$0x0] =	vst.idx.msk $0xffff, v2  }
0x252: {  	v10 =	vld [tilespmem:$0x270];
	_ =	sdelay $0x4  }
0x253: {  	v11 =	vshll.u32 v10, $0x3  }
0x254: {  	v10 =	vand.u32 $0x7F, v10;
	v11 =	vand.u32 $0xFFFFFC00, v11  }
0x255: {  	v10 =	vor.u32 v10, v11  }
0x256: {  	v10 =	vadd.s32 v9, v10;
	_ =	sdelay $0x4  }
0x257: {  	[tilespmem:v10+s15+$0x0] =	vst.idx.msk $0xffff, v2  }
0x258: {  	[hbm4b:s8+s2] =	stream.linear.scatter [tilespmem:s15], [sflag:$0x2], $0x10000, $0x38;
	[tilespmem:$0x10480] =	vst v63  }
0x259: {  	_ =	swait.ge [sflag:s16], $0x10000  }
0x25a: {  	[sflag:s16] =	ssyncset.done $0x0  }
0x25b: {  	[sflag:s16] =	ssyncadd.s32 $0xFFFF0000  }
0x25c: {  	v10 =	vld [tilespmem:$0x200];
	_ =	sdelay $0x4  }
0x25d: {  	v11 =	vshll.u32 v10, $0x3  }
0x25e: {  	v10 =	vand.u32 $0x7F, v10;
	v11 =	vand.u32 $0xFFFFFC00, v11  }
0x25f: {  	v10 =	vor.u32 v10, v11  }
0x260: {  	v10 =	vadd.s32 v1, v10;
	_ =	sdelay $0x4  }
0x261: {  	[tilespmem:v10+s15+$0x0] =	vst.idx.msk $0xffff, v0  }
0x262: {  	v10 =	vld [tilespmem:$0x210];
	_ =	sdelay $0x4  }
0x263: {  	v11 =	vshll.u32 v10, $0x3  }
0x264: {  	v10 =	vand.u32 $0x7F, v10;
	v11 =	vand.u32 $0xFFFFFC00, v11  }
0x265: {  	v10 =	vor.u32 v10, v11  }
0x266: {  	v10 =	vadd.s32 v3, v10;
	_ =	sdelay $0x4  }
0x267: {  	[tilespmem:v10+s15+$0x0] =	vst.idx.msk $0xffff, v0  }
0x268: {  	v10 =	vld [tilespmem:$0x220];
	_ =	sdelay $0x4  }
0x269: {  	v11 =	vshll.u32 v10, $0x3  }
0x26a: {  	v10 =	vand.u32 $0x7F, v10;
	v11 =	vand.u32 $0xFFFFFC00, v11  }
0x26b: {  	v10 =	vor.u32 v10, v11  }
0x26c: {  	v10 =	vadd.s32 v4, v10;
	_ =	sdelay $0x4  }
0x26d: {  	[tilespmem:v10+s15+$0x0] =	vst.idx.msk $0xffff, v0  }
0x26e: {  	v10 =	vld [tilespmem:$0x230];
	_ =	sdelay $0x4  }
0x26f: {  	v11 =	vshll.u32 v10, $0x3  }
0x270: {  	v10 =	vand.u32 $0x7F, v10;
	v11 =	vand.u32 $0xFFFFFC00, v11  }
0x271: {  	v10 =	vor.u32 v10, v11  }
0x272: {  	v10 =	vadd.s32 v5, v10;
	_ =	sdelay $0x4  }
0x273: {  	[tilespmem:v10+s15+$0x0] =	vst.idx.msk $0xffff, v0  }
0x274: {  	v10 =	vld [tilespmem:$0x240];
	_ =	sdelay $0x4  }
0x275: {  	v11 =	vshll.u32 v10, $0x3  }
0x276: {  	v10 =	vand.u32 $0x7F, v10;
	v11 =	vand.u32 $0xFFFFFC00, v11  }
0x277: {  	v10 =	vor.u32 v10, v11  }
0x278: {  	v10 =	vadd.s32 v6, v10;
	_ =	sdelay $0x4  }
0x279: {  	[tilespmem:v10+s15+$0x0] =	vst.idx.msk $0xffff, v0  }
0x27a: {  	v10 =	vld [tilespmem:$0x250];
	_ =	sdelay $0x4  }
0x27b: {  	v11 =	vshll.u32 v10, $0x3  }
0x27c: {  	v10 =	vand.u32 $0x7F, v10;
	v11 =	vand.u32 $0xFFFFFC00, v11  }
0x27d: {  	v10 =	vor.u32 v10, v11  }
0x27e: {  	v10 =	vadd.s32 v7, v10;
	_ =	sdelay $0x4  }
0x27f: {  	[tilespmem:v10+s15+$0x0] =	vst.idx.msk $0xffff, v0  }
0x280: {  	v10 =	vld [tilespmem:$0x260];
	_ =	sdelay $0x4  }
0x281: {  	v11 =	vshll.u32 v10, $0x3  }
0x282: {  	v10 =	vand.u32 $0x7F, v10;
	v11 =	vand.u32 $0xFFFFFC00, v11  }
0x283: {  	v10 =	vor.u32 v10, v11  }
0x284: {  	v10 =	vadd.s32 v8, v10;
	_ =	sdelay $0x4  }
0x285: {  	[tilespmem:v10+s15+$0x0] =	vst.idx.msk $0xffff, v0  }
0x286: {  	v10 =	vld [tilespmem:$0x270];
	_ =	sdelay $0x4  }
0x287: {  	v11 =	vshll.u32 v10, $0x3  }
0x288: {  	v10 =	vand.u32 $0x7F, v10;
	v11 =	vand.u32 $0xFFFFFC00, v11  }
0x289: {  	v10 =	vor.u32 v10, v11  }
0x28a: {  	v10 =	vadd.s32 v9, v10;
	_ =	sdelay $0x4  }
0x28b: {  	[tilespmem:v10+s15+$0x0] =	vst.idx.msk $0xffff, v0  }
0x28c: {  	v10 =	vld [tilespmem:$0x280];
	_ =	sdelay $0x4  }
0x28d: {  	v11 =	vshll.u32 v10, $0x3  }
0x28e: {  	v10 =	vand.u32 $0x7F, v10;
	v11 =	vand.u32 $0xFFFFFC00, v11  }
0x28f: {  	v10 =	vor.u32 v10, v11  }
0x290: {  	v10 =	vadd.s32 v1, v10;
	_ =	sdelay $0x4  }
0x291: {  	[tilespmem:v10+s15+$0x0] =	vst.idx.msk $0xffff, v2  }
0x292: {  	v10 =	vld [tilespmem:$0x290];
	_ =	sdelay $0x4  }
0x293: {  	v11 =	vshll.u32 v10, $0x3  }
0x294: {  	v10 =	vand.u32 $0x7F, v10;
	v11 =	vand.u32 $0xFFFFFC00, v11  }
0x295: {  	v10 =	vor.u32 v10, v11  }
0x296: {  	v10 =	vadd.s32 v3, v10;
	_ =	sdelay $0x4  }
0x297: {  	[tilespmem:v10+s15+$0x0] =	vst.idx.msk $0xffff, v2  }
0x298: {  	v10 =	vld [tilespmem:$0x2A0];
	_ =	sdelay $0x4  }
0x299: {  	v11 =	vshll.u32 v10, $0x3  }
0x29a: {  	v10 =	vand.u32 $0x7F, v10;
	v11 =	vand.u32 $0xFFFFFC00, v11  }
0x29b: {  	v10 =	vor.u32 v10, v11  }
0x29c: {  	v10 =	vadd.s32 v4, v10;
	_ =	sdelay $0x4  }
0x29d: {  	[tilespmem:v10+s15+$0x0] =	vst.idx.msk $0xffff, v2  }
0x29e: {  	v10 =	vld [tilespmem:$0x2B0];
	_ =	sdelay $0x4  }
0x29f: {  	v11 =	vshll.u32 v10, $0x3  }
0x2a0: {  	v10 =	vand.u32 $0x7F, v10;
	v11 =	vand.u32 $0xFFFFFC00, v11  }
0x2a1: {  	v10 =	vor.u32 v10, v11  }
0x2a2: {  	v10 =	vadd.s32 v5, v10;
	_ =	sdelay $0x4  }
0x2a3: {  	[tilespmem:v10+s15+$0x0] =	vst.idx.msk $0xffff, v2  }
0x2a4: {  	v10 =	vld [tilespmem:$0x2C0];
	_ =	sdelay $0x4  }
0x2a5: {  	v11 =	vshll.u32 v10, $0x3  }
0x2a6: {  	v10 =	vand.u32 $0x7F, v10;
	v11 =	vand.u32 $0xFFFFFC00, v11  }
0x2a7: {  	v10 =	vor.u32 v10, v11  }
0x2a8: {  	v10 =	vadd.s32 v6, v10;
	_ =	sdelay $0x4  }
0x2a9: {  	[tilespmem:v10+s15+$0x0] =	vst.idx.msk $0xffff, v2  }
0x2aa: {  	v10 =	vld [tilespmem:$0x2D0];
	_ =	sdelay $0x4  }
0x2ab: {  	v11 =	vshll.u32 v10, $0x3  }
0x2ac: {  	v10 =	vand.u32 $0x7F, v10;
	v11 =	vand.u32 $0xFFFFFC00, v11  }
0x2ad: {  	v10 =	vor.u32 v10, v11  }
0x2ae: {  	v10 =	vadd.s32 v7, v10;
	_ =	sdelay $0x4  }
0x2af: {  	[tilespmem:v10+s15+$0x0] =	vst.idx.msk $0xffff, v2  }
0x2b0: {  	v10 =	vld [tilespmem:$0x2E0];
	_ =	sdelay $0x4  }
0x2b1: {  	v11 =	vshll.u32 v10, $0x3  }
0x2b2: {  	v10 =	vand.u32 $0x7F, v10;
	v11 =	vand.u32 $0xFFFFFC00, v11  }
0x2b3: {  	v10 =	vor.u32 v10, v11  }
0x2b4: {  	v10 =	vadd.s32 v8, v10;
	_ =	sdelay $0x4  }
0x2b5: {  	[tilespmem:v10+s15+$0x0] =	vst.idx.msk $0xffff, v2  }
0x2b6: {  	v10 =	vld [tilespmem:$0x2F0];
	_ =	sdelay $0x4  }
0x2b7: {  	v11 =	vshll.u32 v10, $0x3  }
0x2b8: {  	v10 =	vand.u32 $0x7F, v10;
	v11 =	vand.u32 $0xFFFFFC00, v11  }
0x2b9: {  	v10 =	vor.u32 v10, v11  }
0x2ba: {  	v10 =	vadd.s32 v9, v10;
	_ =	sdelay $0x4  }
0x2bb: {  	[tilespmem:v10+s15+$0x0] =	vst.idx.msk $0xffff, v2  }
0x2bc: {  	[hbm4b:s9+s2] =	stream.linear.scatter [tilespmem:s15], [sflag:$0x2], $0x10000, $0x38;
	[tilespmem:$0x10480] =	vst v63  }
0x2bd: {  	_ =	swait.ge [sflag:s16], $0x10000  }
0x2be: {  	[sflag:s16] =	ssyncset.done $0x0  }
0x2bf: {  	[sflag:s16] =	ssyncadd.s32 $0xFFFF0000  }
0x2c0: {  	v10 =	vld [tilespmem:$0x280];
	_ =	sdelay $0x4  }
0x2c1: {  	v11 =	vshll.u32 v10, $0x3  }
0x2c2: {  	v10 =	vand.u32 $0x7F, v10;
	v11 =	vand.u32 $0xFFFFFC00, v11  }
0x2c3: {  	v10 =	vor.u32 v10, v11  }
0x2c4: {  	v10 =	vadd.s32 v1, v10;
	_ =	sdelay $0x4  }
0x2c5: {  	[tilespmem:v10+s15+$0x0] =	vst.idx.msk $0xffff, v0  }
0x2c6: {  	v10 =	vld [tilespmem:$0x290];
	_ =	sdelay $0x4  }
0x2c7: {  	v11 =	vshll.u32 v10, $0x3  }
0x2c8: {  	v10 =	vand.u32 $0x7F, v10;
	v11 =	vand.u32 $0xFFFFFC00, v11  }
0x2c9: {  	v10 =	vor.u32 v10, v11  }
0x2ca: {  	v10 =	vadd.s32 v3, v10;
	_ =	sdelay $0x4  }
0x2cb: {  	[tilespmem:v10+s15+$0x0] =	vst.idx.msk $0xffff, v0  }
0x2cc: {  	v10 =	vld [tilespmem:$0x2A0];
	_ =	sdelay $0x4  }
0x2cd: {  	v11 =	vshll.u32 v10, $0x3  }
0x2ce: {  	v10 =	vand.u32 $0x7F, v10;
	v11 =	vand.u32 $0xFFFFFC00, v11  }
0x2cf: {  	v10 =	vor.u32 v10, v11  }
0x2d0: {  	v10 =	vadd.s32 v4, v10;
	_ =	sdelay $0x4  }
0x2d1: {  	[tilespmem:v10+s15+$0x0] =	vst.idx.msk $0xffff, v0  }
0x2d2: {  	v10 =	vld [tilespmem:$0x2B0];
	_ =	sdelay $0x4  }
0x2d3: {  	v11 =	vshll.u32 v10, $0x3  }
0x2d4: {  	v10 =	vand.u32 $0x7F, v10;
	v11 =	vand.u32 $0xFFFFFC00, v11  }
0x2d5: {  	v10 =	vor.u32 v10, v11  }
0x2d6: {  	v10 =	vadd.s32 v5, v10;
	_ =	sdelay $0x4  }
0x2d7: {  	[tilespmem:v10+s15+$0x0] =	vst.idx.msk $0xffff, v0  }
0x2d8: {  	v10 =	vld [tilespmem:$0x2C0];
	_ =	sdelay $0x4  }
0x2d9: {  	v11 =	vshll.u32 v10, $0x3  }
0x2da: {  	v10 =	vand.u32 $0x7F, v10;
	v11 =	vand.u32 $0xFFFFFC00, v11  }
0x2db: {  	v10 =	vor.u32 v10, v11  }
0x2dc: {  	v10 =	vadd.s32 v6, v10;
	_ =	sdelay $0x4  }
0x2dd: {  	[tilespmem:v10+s15+$0x0] =	vst.idx.msk $0xffff, v0  }
0x2de: {  	v10 =	vld [tilespmem:$0x2D0];
	_ =	sdelay $0x4  }
0x2df: {  	v11 =	vshll.u32 v10, $0x3  }
0x2e0: {  	v10 =	vand.u32 $0x7F, v10;
	v11 =	vand.u32 $0xFFFFFC00, v11  }
0x2e1: {  	v10 =	vor.u32 v10, v11  }
0x2e2: {  	v10 =	vadd.s32 v7, v10;
	_ =	sdelay $0x4  }
0x2e3: {  	[tilespmem:v10+s15+$0x0] =	vst.idx.msk $0xffff, v0  }
0x2e4: {  	v10 =	vld [tilespmem:$0x2E0];
	_ =	sdelay $0x4  }
0x2e5: {  	v11 =	vshll.u32 v10, $0x3  }
0x2e6: {  	v10 =	vand.u32 $0x7F, v10;
	v11 =	vand.u32 $0xFFFFFC00, v11  }
0x2e7: {  	v10 =	vor.u32 v10, v11  }
0x2e8: {  	v10 =	vadd.s32 v8, v10;
	_ =	sdelay $0x4  }
0x2e9: {  	[tilespmem:v10+s15+$0x0] =	vst.idx.msk $0xffff, v0  }
0x2ea: {  	v10 =	vld [tilespmem:$0x2F0];
	_ =	sdelay $0x4  }
0x2eb: {  	v11 =	vshll.u32 v10, $0x3  }
0x2ec: {  	v10 =	vand.u32 $0x7F, v10;
	v11 =	vand.u32 $0xFFFFFC00, v11  }
0x2ed: {  	v10 =	vor.u32 v10, v11  }
0x2ee: {  	v10 =	vadd.s32 v9, v10;
	_ =	sdelay $0x4  }
0x2ef: {  	[tilespmem:v10+s15+$0x0] =	vst.idx.msk $0xffff, v0  }
0x2f0: {  	v10 =	vld [tilespmem:$0x300];
	_ =	sdelay $0x4  }
0x2f1: {  	v11 =	vshll.u32 v10, $0x3  }
0x2f2: {  	v10 =	vand.u32 $0x7F, v10;
	v11 =	vand.u32 $0xFFFFFC00, v11  }
0x2f3: {  	v10 =	vor.u32 v10, v11  }
0x2f4: {  	v10 =	vadd.s32 v1, v10;
	_ =	sdelay $0x4  }
0x2f5: {  	[tilespmem:v10+s15+$0x0] =	vst.idx.msk $0xffff, v2  }
0x2f6: {  	v10 =	vld [tilespmem:$0x310];
	_ =	sdelay $0x4  }
0x2f7: {  	v11 =	vshll.u32 v10, $0x3  }
0x2f8: {  	v10 =	vand.u32 $0x7F, v10;
	v11 =	vand.u32 $0xFFFFFC00, v11  }
0x2f9: {  	v10 =	vor.u32 v10, v11  }
0x2fa: {  	v10 =	vadd.s32 v3, v10;
	_ =	sdelay $0x4  }
0x2fb: {  	[tilespmem:v10+s15+$0x0] =	vst.idx.msk $0xffff, v2  }
0x2fc: {  	v10 =	vld [tilespmem:$0x320];
	_ =	sdelay $0x4  }
0x2fd: {  	v11 =	vshll.u32 v10, $0x3  }
0x2fe: {  	v10 =	vand.u32 $0x7F, v10;
	v11 =	vand.u32 $0xFFFFFC00, v11  }
0x2ff: {  	v10 =	vor.u32 v10, v11  }
0x300: {  	v10 =	vadd.s32 v4, v10;
	_ =	sdelay $0x4  }
0x301: {  	[tilespmem:v10+s15+$0x0] =	vst.idx.msk $0xffff, v2  }
0x302: {  	v10 =	vld [tilespmem:$0x330];
	_ =	sdelay $0x4  }
0x303: {  	v11 =	vshll.u32 v10, $0x3  }
0x304: {  	v10 =	vand.u32 $0x7F, v10;
	v11 =	vand.u32 $0xFFFFFC00, v11  }
0x305: {  	v10 =	vor.u32 v10, v11  }
0x306: {  	v10 =	vadd.s32 v5, v10;
	_ =	sdelay $0x4  }
0x307: {  	[tilespmem:v10+s15+$0x0] =	vst.idx.msk $0xffff, v2  }
0x308: {  	v10 =	vld [tilespmem:$0x340];
	_ =	sdelay $0x4  }
0x309: {  	v11 =	vshll.u32 v10, $0x3  }
0x30a: {  	v10 =	vand.u32 $0x7F, v10;
	v11 =	vand.u32 $0xFFFFFC00, v11  }
0x30b: {  	v10 =	vor.u32 v10, v11  }
0x30c: {  	v10 =	vadd.s32 v6, v10;
	_ =	sdelay $0x4  }
0x30d: {  	[tilespmem:v10+s15+$0x0] =	vst.idx.msk $0xffff, v2  }
0x30e: {  	v10 =	vld [tilespmem:$0x350];
	_ =	sdelay $0x4  }
0x30f: {  	v11 =	vshll.u32 v10, $0x3  }
0x310: {  	v10 =	vand.u32 $0x7F, v10;
	v11 =	vand.u32 $0xFFFFFC00, v11  }
0x311: {  	v10 =	vor.u32 v10, v11  }
0x312: {  	v10 =	vadd.s32 v7, v10;
	_ =	sdelay $0x4  }
0x313: {  	[tilespmem:v10+s15+$0x0] =	vst.idx.msk $0xffff, v2  }
0x314: {  	v10 =	vld [tilespmem:$0x360];
	_ =	sdelay $0x4  }
0x315: {  	v11 =	vshll.u32 v10, $0x3  }
0x316: {  	v10 =	vand.u32 $0x7F, v10;
	v11 =	vand.u32 $0xFFFFFC00, v11  }
0x317: {  	v10 =	vor.u32 v10, v11  }
0x318: {  	v10 =	vadd.s32 v8, v10;
	_ =	sdelay $0x4  }
0x319: {  	[tilespmem:v10+s15+$0x0] =	vst.idx.msk $0xffff, v2  }
0x31a: {  	v10 =	vld [tilespmem:$0x370];
	_ =	sdelay $0x4  }
0x31b: {  	v11 =	vshll.u32 v10, $0x3  }
0x31c: {  	v10 =	vand.u32 $0x7F, v10;
	v11 =	vand.u32 $0xFFFFFC00, v11  }
0x31d: {  	v10 =	vor.u32 v10, v11  }
0x31e: {  	v10 =	vadd.s32 v9, v10;
	_ =	sdelay $0x4  }
0x31f: {  	[tilespmem:v10+s15+$0x0] =	vst.idx.msk $0xffff, v2  }
0x320: {  	[hbm4b:s10+s2] =	stream.linear.scatter [tilespmem:s15], [sflag:$0x2], $0x10000, $0x38;
	[tilespmem:$0x10480] =	vst v63  }
0x321: {  	_ =	swait.ge [sflag:s16], $0x10000  }
0x322: {  	[sflag:s16] =	ssyncset.done $0x0  }
0x323: {  	[sflag:s16] =	ssyncadd.s32 $0xFFFF0000  }
0x324: {  	v10 =	vld [tilespmem:$0x300];
	_ =	sdelay $0x4  }
0x325: {  	v11 =	vshll.u32 v10, $0x3  }
0x326: {  	v10 =	vand.u32 $0x7F, v10;
	v11 =	vand.u32 $0xFFFFFC00, v11  }
0x327: {  	v10 =	vor.u32 v10, v11  }
0x328: {  	v10 =	vadd.s32 v1, v10;
	_ =	sdelay $0x4  }
0x329: {  	[tilespmem:v10+s15+$0x0] =	vst.idx.msk $0xffff, v0  }
0x32a: {  	v10 =	vld [tilespmem:$0x310];
	_ =	sdelay $0x4  }
0x32b: {  	v11 =	vshll.u32 v10, $0x3  }
0x32c: {  	v10 =	vand.u32 $0x7F, v10;
	v11 =	vand.u32 $0xFFFFFC00, v11  }
0x32d: {  	v10 =	vor.u32 v10, v11  }
0x32e: {  	v10 =	vadd.s32 v3, v10;
	_ =	sdelay $0x4  }
0x32f: {  	[tilespmem:v10+s15+$0x0] =	vst.idx.msk $0xffff, v0  }
0x330: {  	v10 =	vld [tilespmem:$0x320];
	_ =	sdelay $0x4  }
0x331: {  	v11 =	vshll.u32 v10, $0x3  }
0x332: {  	v10 =	vand.u32 $0x7F, v10;
	v11 =	vand.u32 $0xFFFFFC00, v11  }
0x333: {  	v10 =	vor.u32 v10, v11  }
0x334: {  	v10 =	vadd.s32 v4, v10;
	_ =	sdelay $0x4  }
0x335: {  	[tilespmem:v10+s15+$0x0] =	vst.idx.msk $0xffff, v0  }
0x336: {  	v10 =	vld [tilespmem:$0x330];
	_ =	sdelay $0x4  }
0x337: {  	v11 =	vshll.u32 v10, $0x3  }
0x338: {  	v10 =	vand.u32 $0x7F, v10;
	v11 =	vand.u32 $0xFFFFFC00, v11  }
0x339: {  	v10 =	vor.u32 v10, v11  }
0x33a: {  	v10 =	vadd.s32 v5, v10;
	_ =	sdelay $0x4  }
0x33b: {  	[tilespmem:v10+s15+$0x0] =	vst.idx.msk $0xffff, v0  }
0x33c: {  	v10 =	vld [tilespmem:$0x340];
	_ =	sdelay $0x4  }
0x33d: {  	v11 =	vshll.u32 v10, $0x3  }
0x33e: {  	v10 =	vand.u32 $0x7F, v10;
	v11 =	vand.u32 $0xFFFFFC00, v11  }
0x33f: {  	v10 =	vor.u32 v10, v11  }
0x340: {  	v10 =	vadd.s32 v6, v10;
	_ =	sdelay $0x4  }
0x341: {  	[tilespmem:v10+s15+$0x0] =	vst.idx.msk $0xffff, v0  }
0x342: {  	v10 =	vld [tilespmem:$0x350];
	_ =	sdelay $0x4  }
0x343: {  	v11 =	vshll.u32 v10, $0x3  }
0x344: {  	v10 =	vand.u32 $0x7F, v10;
	v11 =	vand.u32 $0xFFFFFC00, v11  }
0x345: {  	v10 =	vor.u32 v10, v11  }
0x346: {  	v10 =	vadd.s32 v7, v10;
	_ =	sdelay $0x4  }
0x347: {  	[tilespmem:v10+s15+$0x0] =	vst.idx.msk $0xffff, v0  }
0x348: {  	v10 =	vld [tilespmem:$0x360];
	_ =	sdelay $0x4  }
0x349: {  	v11 =	vshll.u32 v10, $0x3  }
0x34a: {  	v10 =	vand.u32 $0x7F, v10;
	v11 =	vand.u32 $0xFFFFFC00, v11  }
0x34b: {  	v10 =	vor.u32 v10, v11  }
0x34c: {  	v10 =	vadd.s32 v8, v10;
	_ =	sdelay $0x4  }
0x34d: {  	[tilespmem:v10+s15+$0x0] =	vst.idx.msk $0xffff, v0  }
0x34e: {  	v10 =	vld [tilespmem:$0x370];
	_ =	sdelay $0x4  }
0x34f: {  	v11 =	vshll.u32 v10, $0x3  }
0x350: {  	v10 =	vand.u32 $0x7F, v10;
	v11 =	vand.u32 $0xFFFFFC00, v11  }
0x351: {  	v10 =	vor.u32 v10, v11  }
0x352: {  	v10 =	vadd.s32 v9, v10;
	_ =	sdelay $0x4  }
0x353: {  	[tilespmem:v10+s15+$0x0] =	vst.idx.msk $0xffff, v0  }
0x354: {  	v10 =	vld [tilespmem:$0x380];
	_ =	sdelay $0x4  }
0x355: {  	v11 =	vshll.u32 v10, $0x3  }
0x356: {  	v10 =	vand.u32 $0x7F, v10;
	v11 =	vand.u32 $0xFFFFFC00, v11  }
0x357: {  	v10 =	vor.u32 v10, v11  }
0x358: {  	v10 =	vadd.s32 v1, v10;
	_ =	sdelay $0x4  }
0x359: {  	[tilespmem:v10+s15+$0x0] =	vst.idx.msk $0xffff, v2  }
0x35a: {  	v10 =	vld [tilespmem:$0x390];
	_ =	sdelay $0x4  }
0x35b: {  	v11 =	vshll.u32 v10, $0x3  }
0x35c: {  	v10 =	vand.u32 $0x7F, v10;
	v11 =	vand.u32 $0xFFFFFC00, v11  }
0x35d: {  	v10 =	vor.u32 v10, v11  }
0x35e: {  	v10 =	vadd.s32 v3, v10;
	_ =	sdelay $0x4  }
0x35f: {  	[tilespmem:v10+s15+$0x0] =	vst.idx.msk $0xffff, v2  }
0x360: {  	v10 =	vld [tilespmem:$0x3A0];
	_ =	sdelay $0x4  }
0x361: {  	v11 =	vshll.u32 v10, $0x3  }
0x362: {  	v10 =	vand.u32 $0x7F, v10;
	v11 =	vand.u32 $0xFFFFFC00, v11  }
0x363: {  	v10 =	vor.u32 v10, v11  }
0x364: {  	v10 =	vadd.s32 v4, v10;
	_ =	sdelay $0x4  }
0x365: {  	[tilespmem:v10+s15+$0x0] =	vst.idx.msk $0xffff, v2  }
0x366: {  	v10 =	vld [tilespmem:$0x3B0];
	_ =	sdelay $0x4  }
0x367: {  	v11 =	vshll.u32 v10, $0x3  }
0x368: {  	v10 =	vand.u32 $0x7F, v10;
	v11 =	vand.u32 $0xFFFFFC00, v11  }
0x369: {  	v10 =	vor.u32 v10, v11  }
0x36a: {  	v10 =	vadd.s32 v5, v10;
	_ =	sdelay $0x4  }
0x36b: {  	[tilespmem:v10+s15+$0x0] =	vst.idx.msk $0xffff, v2  }
0x36c: {  	v10 =	vld [tilespmem:$0x3C0];
	_ =	sdelay $0x4  }
0x36d: {  	v11 =	vshll.u32 v10, $0x3  }
0x36e: {  	v10 =	vand.u32 $0x7F, v10;
	v11 =	vand.u32 $0xFFFFFC00, v11  }
0x36f: {  	v10 =	vor.u32 v10, v11  }
0x370: {  	v10 =	vadd.s32 v6, v10;
	_ =	sdelay $0x4  }
0x371: {  	[tilespmem:v10+s15+$0x0] =	vst.idx.msk $0xffff, v2  }
0x372: {  	v10 =	vld [tilespmem:$0x3D0];
	_ =	sdelay $0x4  }
0x373: {  	v11 =	vshll.u32 v10, $0x3  }
0x374: {  	v10 =	vand.u32 $0x7F, v10;
	v11 =	vand.u32 $0xFFFFFC00, v11  }
0x375: {  	v10 =	vor.u32 v10, v11  }
0x376: {  	v10 =	vadd.s32 v7, v10;
	_ =	sdelay $0x4  }
0x377: {  	[tilespmem:v10+s15+$0x0] =	vst.idx.msk $0xffff, v2  }
0x378: {  	v10 =	vld [tilespmem:$0x3E0];
	_ =	sdelay $0x4  }
0x379: {  	v11 =	vshll.u32 v10, $0x3  }
0x37a: {  	v10 =	vand.u32 $0x7F, v10;
	v11 =	vand.u32 $0xFFFFFC00, v11  }
0x37b: {  	v10 =	vor.u32 v10, v11  }
0x37c: {  	v10 =	vadd.s32 v8, v10;
	_ =	sdelay $0x4  }
0x37d: {  	[tilespmem:v10+s15+$0x0] =	vst.idx.msk $0xffff, v2  }
0x37e: {  	v10 =	vld [tilespmem:$0x3F0];
	_ =	sdelay $0x4  }
0x37f: {  	v11 =	vshll.u32 v10, $0x3  }
0x380: {  	v10 =	vand.u32 $0x7F, v10;
	v11 =	vand.u32 $0xFFFFFC00, v11  }
0x381: {  	v10 =	vor.u32 v10, v11  }
0x382: {  	v10 =	vadd.s32 v9, v10;
	_ =	sdelay $0x4  }
0x383: {  	[tilespmem:v10+s15+$0x0] =	vst.idx.msk $0xffff, v2  }
0x384: {  	[hbm4b:s11+s2] =	stream.linear.scatter [tilespmem:s15], [sflag:$0x2], $0x10000, $0x38;
	[tilespmem:$0x10480] =	vst v63  }
0x385: {  	_ =	swait.ge [sflag:s16], $0x10000  }
0x386: {  	[sflag:s16] =	ssyncset.done $0x0  }
0x387: {  	[sflag:s16] =	ssyncadd.s32 $0xFFFF0000  }
0x388: {  	v10 =	vld [tilespmem:$0x380];
	_ =	sdelay $0x4  }
0x389: {  	v11 =	vshll.u32 v10, $0x3  }
0x38a: {  	v10 =	vand.u32 $0x7F, v10;
	v11 =	vand.u32 $0xFFFFFC00, v11  }
0x38b: {  	v10 =	vor.u32 v10, v11  }
0x38c: {  	v10 =	vadd.s32 v1, v10;
	_ =	sdelay $0x4  }
0x38d: {  	[tilespmem:v10+s15+$0x0] =	vst.idx.msk $0xffff, v0  }
0x38e: {  	v10 =	vld [tilespmem:$0x390];
	_ =	sdelay $0x4  }
0x38f: {  	v11 =	vshll.u32 v10, $0x3  }
0x390: {  	v10 =	vand.u32 $0x7F, v10;
	v11 =	vand.u32 $0xFFFFFC00, v11  }
0x391: {  	v10 =	vor.u32 v10, v11  }
0x392: {  	v10 =	vadd.s32 v3, v10;
	_ =	sdelay $0x4  }
0x393: {  	[tilespmem:v10+s15+$0x0] =	vst.idx.msk $0xffff, v0  }
0x394: {  	v10 =	vld [tilespmem:$0x3A0];
	_ =	sdelay $0x4  }
0x395: {  	v11 =	vshll.u32 v10, $0x3  }
0x396: {  	v10 =	vand.u32 $0x7F, v10;
	v11 =	vand.u32 $0xFFFFFC00, v11  }
0x397: {  	v10 =	vor.u32 v10, v11  }
0x398: {  	v10 =	vadd.s32 v4, v10;
	_ =	sdelay $0x4  }
0x399: {  	[tilespmem:v10+s15+$0x0] =	vst.idx.msk $0xffff, v0  }
0x39a: {  	v10 =	vld [tilespmem:$0x3B0];
	_ =	sdelay $0x4  }
0x39b: {  	v11 =	vshll.u32 v10, $0x3  }
0x39c: {  	v10 =	vand.u32 $0x7F, v10;
	v11 =	vand.u32 $0xFFFFFC00, v11  }
0x39d: {  	v10 =	vor.u32 v10, v11  }
0x39e: {  	v10 =	vadd.s32 v5, v10;
	_ =	sdelay $0x4  }
0x39f: {  	[tilespmem:v10+s15+$0x0] =	vst.idx.msk $0xffff, v0  }
0x3a0: {  	v10 =	vld [tilespmem:$0x3C0];
	_ =	sdelay $0x4  }
0x3a1: {  	v11 =	vshll.u32 v10, $0x3  }
0x3a2: {  	v10 =	vand.u32 $0x7F, v10;
	v11 =	vand.u32 $0xFFFFFC00, v11  }
0x3a3: {  	v10 =	vor.u32 v10, v11  }
0x3a4: {  	v10 =	vadd.s32 v6, v10;
	_ =	sdelay $0x4  }
0x3a5: {  	[tilespmem:v10+s15+$0x0] =	vst.idx.msk $0xffff, v0  }
0x3a6: {  	v10 =	vld [tilespmem:$0x3D0];
	_ =	sdelay $0x4  }
0x3a7: {  	v11 =	vshll.u32 v10, $0x3  }
0x3a8: {  	v10 =	vand.u32 $0x7F, v10;
	v11 =	vand.u32 $0xFFFFFC00, v11  }
0x3a9: {  	v10 =	vor.u32 v10, v11  }
0x3aa: {  	v10 =	vadd.s32 v7, v10;
	_ =	sdelay $0x4  }
0x3ab: {  	[tilespmem:v10+s15+$0x0] =	vst.idx.msk $0xffff, v0  }
0x3ac: {  	v10 =	vld [tilespmem:$0x3E0];
	_ =	sdelay $0x4  }
0x3ad: {  	v11 =	vshll.u32 v10, $0x3  }
0x3ae: {  	v10 =	vand.u32 $0x7F, v10;
	v11 =	vand.u32 $0xFFFFFC00, v11  }
0x3af: {  	v10 =	vor.u32 v10, v11  }
0x3b0: {  	v10 =	vadd.s32 v8, v10;
	_ =	sdelay $0x4  }
0x3b1: {  	[tilespmem:v10+s15+$0x0] =	vst.idx.msk $0xffff, v0  }
0x3b2: {  	v10 =	vld [tilespmem:$0x3F0];
	_ =	sdelay $0x4  }
0x3b3: {  	v11 =	vshll.u32 v10, $0x3  }
0x3b4: {  	v10 =	vand.u32 $0x7F, v10;
	v11 =	vand.u32 $0xFFFFFC00, v11  }
0x3b5: {  	v10 =	vor.u32 v10, v11  }
0x3b6: {  	v10 =	vadd.s32 v9, v10;
	_ =	sdelay $0x4  }
0x3b7: {  	[tilespmem:v10+s15+$0x0] =	vst.idx.msk $0xffff, v0  }
0x3b8: {  	v10 =	vld [tilespmem:$0x400];
	_ =	sdelay $0x4  }
0x3b9: {  	v11 =	vshll.u32 v10, $0x3  }
0x3ba: {  	v10 =	vand.u32 $0x7F, v10;
	v11 =	vand.u32 $0xFFFFFC00, v11  }
0x3bb: {  	v10 =	vor.u32 v10, v11  }
0x3bc: {  	v10 =	vadd.s32 v1, v10;
	_ =	sdelay $0x4  }
0x3bd: {  	[tilespmem:v10+s15+$0x0] =	vst.idx.msk $0xffff, v2  }
0x3be: {  	v10 =	vld [tilespmem:$0x410];
	_ =	sdelay $0x4  }
0x3bf: {  	v11 =	vshll.u32 v10, $0x3  }
0x3c0: {  	v10 =	vand.u32 $0x7F, v10;
	v11 =	vand.u32 $0xFFFFFC00, v11  }
0x3c1: {  	v10 =	vor.u32 v10, v11  }
0x3c2: {  	v10 =	vadd.s32 v3, v10;
	_ =	sdelay $0x4  }
0x3c3: {  	[tilespmem:v10+s15+$0x0] =	vst.idx.msk $0xffff, v2  }
0x3c4: {  	v10 =	vld [tilespmem:$0x420];
	_ =	sdelay $0x4  }
0x3c5: {  	v11 =	vshll.u32 v10, $0x3  }
0x3c6: {  	v10 =	vand.u32 $0x7F, v10;
	v11 =	vand.u32 $0xFFFFFC00, v11  }
0x3c7: {  	v10 =	vor.u32 v10, v11  }
0x3c8: {  	v10 =	vadd.s32 v4, v10;
	_ =	sdelay $0x4  }
0x3c9: {  	[tilespmem:v10+s15+$0x0] =	vst.idx.msk $0xffff, v2  }
0x3ca: {  	v10 =	vld [tilespmem:$0x430];
	_ =	sdelay $0x4  }
0x3cb: {  	v11 =	vshll.u32 v10, $0x3  }
0x3cc: {  	v10 =	vand.u32 $0x7F, v10;
	v11 =	vand.u32 $0xFFFFFC00, v11  }
0x3cd: {  	v10 =	vor.u32 v10, v11  }
0x3ce: {  	v10 =	vadd.s32 v5, v10;
	_ =	sdelay $0x4  }
0x3cf: {  	[tilespmem:v10+s15+$0x0] =	vst.idx.msk $0xffff, v2  }
0x3d0: {  	v10 =	vld [tilespmem:$0x440];
	_ =	sdelay $0x4  }
0x3d1: {  	v11 =	vshll.u32 v10, $0x3  }
0x3d2: {  	v10 =	vand.u32 $0x7F, v10;
	v11 =	vand.u32 $0xFFFFFC00, v11  }
0x3d3: {  	v10 =	vor.u32 v10, v11  }
0x3d4: {  	v10 =	vadd.s32 v6, v10;
	_ =	sdelay $0x4  }
0x3d5: {  	[tilespmem:v10+s15+$0x0] =	vst.idx.msk $0xffff, v2  }
0x3d6: {  	v10 =	vld [tilespmem:$0x450];
	_ =	sdelay $0x4  }
0x3d7: {  	v11 =	vshll.u32 v10, $0x3  }
0x3d8: {  	v10 =	vand.u32 $0x7F, v10;
	v11 =	vand.u32 $0xFFFFFC00, v11  }
0x3d9: {  	v10 =	vor.u32 v10, v11  }
0x3da: {  	v10 =	vadd.s32 v7, v10;
	_ =	sdelay $0x4  }
0x3db: {  	[tilespmem:v10+s15+$0x0] =	vst.idx.msk $0xffff, v2  }
0x3dc: {  	v10 =	vld [tilespmem:$0x460];
	_ =	sdelay $0x4  }
0x3dd: {  	v11 =	vshll.u32 v10, $0x3  }
0x3de: {  	v10 =	vand.u32 $0x7F, v10;
	v11 =	vand.u32 $0xFFFFFC00, v11  }
0x3df: {  	v10 =	vor.u32 v10, v11  }
0x3e0: {  	v10 =	vadd.s32 v8, v10;
	_ =	sdelay $0x4  }
0x3e1: {  	[tilespmem:v10+s15+$0x0] =	vst.idx.msk $0xffff, v2  }
0x3e2: {  	v10 =	vld [tilespmem:$0x470];
	_ =	sdelay $0x4  }
0x3e3: {  	v11 =	vshll.u32 v10, $0x3  }
0x3e4: {  	v10 =	vand.u32 $0x7F, v10;
	v11 =	vand.u32 $0xFFFFFC00, v11  }
0x3e5: {  	v10 =	vor.u32 v10, v11  }
0x3e6: {  	v10 =	vadd.s32 v9, v10;
	_ =	sdelay $0x4  }
0x3e7: {  	[tilespmem:v10+s15+$0x0] =	vst.idx.msk $0xffff, v2  }
0x3e8: {  	[hbm4b:s12+s2] =	stream.linear.scatter [tilespmem:s15], [sflag:$0x2], $0x10000, $0x38;
	[tilespmem:$0x10480] =	vst v63  }
0x3e9: {  	_ =	swait.ge [sflag:s16], $0x10000  }
0x3ea: {  	[sflag:s16] =	ssyncset.done $0x0  }
0x3eb: {  	[sflag:s16] =	ssyncadd.s32 $0xFFFF0000  }
0x3ec: {  	v10 =	vld [tilespmem:$0x400];
	_ =	sdelay $0x4  }
0x3ed: {  	v11 =	vshll.u32 v10, $0x3  }
0x3ee: {  	v10 =	vand.u32 $0x7F, v10;
	v11 =	vand.u32 $0xFFFFFC00, v11  }
0x3ef: {  	v10 =	vor.u32 v10, v11  }
0x3f0: {  	v10 =	vadd.s32 v1, v10;
	_ =	sdelay $0x4  }
0x3f1: {  	[tilespmem:v10+s15+$0x0] =	vst.idx.msk $0xffff, v0  }
0x3f2: {  	v10 =	vld [tilespmem:$0x410];
	_ =	sdelay $0x4  }
0x3f3: {  	v11 =	vshll.u32 v10, $0x3  }
0x3f4: {  	v10 =	vand.u32 $0x7F, v10;
	v11 =	vand.u32 $0xFFFFFC00, v11  }
0x3f5: {  	v10 =	vor.u32 v10, v11  }
0x3f6: {  	v10 =	vadd.s32 v3, v10;
	_ =	sdelay $0x4  }
0x3f7: {  	[tilespmem:v10+s15+$0x0] =	vst.idx.msk $0xffff, v0  }
0x3f8: {  	v10 =	vld [tilespmem:$0x420];
	_ =	sdelay $0x4  }
0x3f9: {  	v11 =	vshll.u32 v10, $0x3  }
0x3fa: {  	v10 =	vand.u32 $0x7F, v10;
	v11 =	vand.u32 $0xFFFFFC00, v11  }
0x3fb: {  	v10 =	vor.u32 v10, v11  }
0x3fc: {  	v10 =	vadd.s32 v4, v10;
	_ =	sdelay $0x4  }
0x3fd: {  	[tilespmem:v10+s15+$0x0] =	vst.idx.msk $0xffff, v0  }
0x3fe: {  	v10 =	vld [tilespmem:$0x430];
	_ =	sdelay $0x4  }
0x3ff: {  	v11 =	vshll.u32 v10, $0x3  }
0x400: {  	v10 =	vand.u32 $0x7F, v10;
	v11 =	vand.u32 $0xFFFFFC00, v11  }
0x401: {  	v10 =	vor.u32 v10, v11  }
0x402: {  	v10 =	vadd.s32 v5, v10;
	_ =	sdelay $0x4  }
0x403: {  	[tilespmem:v10+s15+$0x0] =	vst.idx.msk $0xffff, v0  }
0x404: {  	v10 =	vld [tilespmem:$0x440];
	_ =	sdelay $0x4  }
0x405: {  	v11 =	vshll.u32 v10, $0x3  }
0x406: {  	v10 =	vand.u32 $0x7F, v10;
	v11 =	vand.u32 $0xFFFFFC00, v11  }
0x407: {  	v10 =	vor.u32 v10, v11  }
0x408: {  	v10 =	vadd.s32 v6, v10;
	_ =	sdelay $0x4  }
0x409: {  	[tilespmem:v10+s15+$0x0] =	vst.idx.msk $0xffff, v0  }
0x40a: {  	v10 =	vld [tilespmem:$0x450];
	_ =	sdelay $0x4  }
0x40b: {  	v11 =	vshll.u32 v10, $0x3  }
0x40c: {  	v10 =	vand.u32 $0x7F, v10;
	v11 =	vand.u32 $0xFFFFFC00, v11  }
0x40d: {  	v10 =	vor.u32 v10, v11  }
0x40e: {  	v10 =	vadd.s32 v7, v10;
	_ =	sdelay $0x4  }
0x40f: {  	[tilespmem:v10+s15+$0x0] =	vst.idx.msk $0xffff, v0  }
0x410: {  	v10 =	vld [tilespmem:$0x460];
	_ =	sdelay $0x4  }
0x411: {  	v11 =	vshll.u32 v10, $0x3  }
0x412: {  	v10 =	vand.u32 $0x7F, v10;
	v11 =	vand.u32 $0xFFFFFC00, v11  }
0x413: {  	v10 =	vor.u32 v10, v11  }
0x414: {  	v10 =	vadd.s32 v8, v10;
	_ =	sdelay $0x4  }
0x415: {  	[tilespmem:v10+s15+$0x0] =	vst.idx.msk $0xffff, v0  }
0x416: {  	v10 =	vld [tilespmem:$0x470];
	_ =	sdelay $0x4  }
0x417: {  	v11 =	vshll.u32 v10, $0x3  }
0x418: {  	v10 =	vand.u32 $0x7F, v10;
	v11 =	vand.u32 $0xFFFFFC00, v11  }
0x419: {  	s17 =	sadd.s32 $0x1, s17;
	v10 =	vor.u32 v10, v11  }
0x41a: {  	p0 =	sne.s32 s17, s13;
	v10 =	vadd.s32 v9, v10  }
.Ltmp1:
0x41b: {  	_ = 	snop;
	(pc) =	sbr.rel @p0 .LBB2_1-.Ltmp1, $2  }
0x41c: {  	_ =	sdelay $0x2  }
0x41d: {  	[tilespmem:v10+s15+$0x0] =	vst.idx.msk $0xffff, v0  }
0x41e: {  	_ =	sfence.sel $0x180000  }
0x41f: {  	[bflag:$0x0] =	sbarrier.arrive $0xFFFF  }
0x420: {  	p0 =	sne.s32 s0, $0x0;
	_ =	strace $0x90000047  }
0x421: {  	s0 =	sadd.s32 @!p0 $0x100000, s1;
	[bflag:$0x2] =	sbarrier.arrive $0xFFFF  }
0x422: {  	[sflag:s0] =	ssyncadd.tile.s32 @!p0 $0x1;
	_ =	shalt  }
.Lfunc_end2:
_tile_overlayer_lowered:
.L_overlay_start_2:
0x423: {  	(tag) =	ssettag $0x2  }
0x424: {  	s0 =	rddreg [dreg:$0x0];
	s2 =	stileid.u32  }
0x425: {  	s1 =	rddreg [dreg:$0x1];
	p0 =	sne.s32 s2, $0x0  }
0x426: {  	s3 =	rddreg [dreg:$0x2];
	[bflag:$0x3] =	sbarrier.arrive $0xFFFF;
	s2 =	simm.s32 @!p0 $0x1C02  }
0x427: {  	[timem:s3], [sflag:s2] =	dma.local @!p0 [hbm:s0], s1  }
0x428: {  	s0 =	simm.s32 @!p0 $0x2  }
0x429: {  	_ =	swait.ge @!p0 [sflag:s0], s1  }
0x42a: {  	s1 =	ssub.s32 @!p0 $0x0, s1;
	[sflag:s0] =	ssyncset.done @!p0 $0x0  }
0x42b: {  	[sflag:s0] =	ssyncadd.s32 @!p0 s1  }
0x42c: {  	[bflag:$0x3] =	sbarrier.arrive $0xFFFF  }
0x42d: {  	_ =	shalt  }

</sc_bundles>
